<compile_context>
chip_gen: v7x
topology: tpu7x:2x2x1
jax: 0.10.2.dev20260603
libtpu: 0.0.44.dev20260713+nightly
codegen_flags: <defaults>
</compile_context>

<pallas_src>
import functools

import jax
import jax.numpy as jnp
from jax import lax
from jax.experimental import pallas as pl
from jax.experimental.pallas import tpu as pltpu
from jax.experimental.pallas import tpu_sc as plsc

N = 10000
E = 320000
F = 128

NC = 2
NS = 16
NW = NC * NS
CH = 80
NCHUNKS = E // CH
NBUF = 4
ZROWS = 32
BASE_CK = NCHUNKS // NW
EXTRA_TILES = NCHUNKS - NW * BASE_CK
CK_HI = -(-(BASE_CK + 1) // NBUF) * NBUF
N_ACC = 10112
ROWS_PER_SUB = N_ACC // NS
ROWS_LAST = N - (NS - 1) * ROWS_PER_SUB


def _sc_segment_sum(feat, edge_flat):
    mesh = plsc.VectorSubcoreMesh(core_axis_name="c", subcore_axis_name="s")

    @functools.partial(
        pl.kernel,
        mesh=mesh,
        out_type=jax.ShapeDtypeStruct((NC, N, F), jnp.float32),
        scratch_types=[
            pltpu.VMEM((NBUF, CH), jnp.int32),
            pltpu.VMEM((NBUF, CH), jnp.int32),
            pltpu.VMEM((NBUF, CH, F), jnp.float32),
            pltpu.VMEM((ZROWS, F), jnp.float32),
            pltpu.VMEM_SHARED((N_ACC, F), jnp.float32),
        ] + [pltpu.SemaphoreType.DMA] * (4 * NBUF + 1),
    )
    def k(feat_hbm, edge_hbm, out_hbm,
          sidx_v, didx_v, rows_v, zbuf_v, acc_sh, *sems):
        gsem = sems[:NBUF]
        ssem = sems[NBUF:2 * NBUF]
        sisem = sems[2 * NBUF:3 * NBUF]
        disem = sems[3 * NBUF:4 * NBUF]
        zsem = sems[4 * NBUF]
        c = lax.axis_index("c")
        s = lax.axis_index("s")
        wid = s * NC + c
        row0 = s * ROWS_PER_SUB

        nck = BASE_CK + (wid < EXTRA_TILES)
        cbase = BASE_CK * wid + jnp.minimum(wid, EXTRA_TILES)

        def g_start(b, j):
            pltpu.async_copy(feat_hbm.at[sidx_v.at[b]], rows_v.at[b],
                             gsem[b])

        def g_wait(b):
            pltpu.make_async_copy(feat_hbm.at[pl.ds(0, CH)], rows_v.at[b],
                                  gsem[b]).wait()

        def s_start(b):
            pltpu.async_copy(rows_v.at[b], acc_sh.at[didx_v.at[b]],
                             ssem[b], add=True)

        def s_wait(b):
            pltpu.make_async_copy(feat_hbm.at[pl.ds(0, CH)], rows_v.at[b],
                                  ssem[b]).wait()

        def si_start(b, j):
            pltpu.async_copy(edge_hbm.at[pl.ds((cbase + j) * CH, CH)],
                             sidx_v.at[b], sisem[b])

        def si_wait(b):
            pltpu.make_async_copy(edge_hbm.at[pl.ds(0, CH)], sidx_v.at[b],
                                  sisem[b]).wait()

        def di_start(b, j):
            pltpu.async_copy(edge_hbm.at[pl.ds(E + (cbase + j) * CH, CH)],
                             didx_v.at[b], disem[b])

        def di_wait(b):
            pltpu.make_async_copy(edge_hbm.at[pl.ds(0, CH)], didx_v.at[b],
                                  disem[b]).wait()

        for b in range(NBUF):
            si_start(b, b)
            di_start(b, b)

        z16 = jnp.zeros((16,), jnp.float32)

        @pl.loop(0, ZROWS)
        def _(r):
            for l in range(F // 16):
                zbuf_v[r, pl.ds(16 * l, 16)] = z16

        ZCOP = ROWS_PER_SUB // ZROWS
        ZREM = ROWS_PER_SUB - ZCOP * ZROWS
        for t in range(ZCOP):
            pltpu.async_copy(zbuf_v,
                             acc_sh.at[pl.ds(row0 + t * ZROWS, ZROWS)], zsem)
        pltpu.async_copy(zbuf_v.at[pl.ds(0, ZREM)],
                         acc_sh.at[pl.ds(row0 + ZCOP * ZROWS, ZREM)], zsem)

        for b in range(NBUF):
            si_wait(b)
            g_start(b, b)

        for t in range(ZCOP):
            pltpu.make_async_copy(feat_hbm.at[pl.ds(0, ZROWS)], zbuf_v,
                                  zsem).wait()
        pltpu.make_async_copy(feat_hbm.at[pl.ds(0, ZREM)],
                              zbuf_v.at[pl.ds(0, ZREM)], zsem).wait()
        plsc.subcore_barrier()

        @pl.loop(0, CK_HI, step=NBUF)
        def _(i):
            for b in range(NBUF):
                j = i + b

                @pl.when(j < nck)
                def _():
                    g_wait(b)
                    di_wait(b)
                    s_start(b)

                    @pl.when(j + NBUF < nck)
                    def _():
                        si_start(b, j + NBUF)
            for b in range(NBUF):
                nxt = i + NBUF + b

                @pl.when(nxt < nck)
                def _():
                    s_wait(b)
                    di_start(b, nxt)
                    si_wait(b)
                    g_start(b, nxt)

        for b in range(NBUF):
            s_wait(b)
        plsc.subcore_barrier()

        @pl.when(s < NS - 1)
        def _():
            pltpu.sync_copy(acc_sh.at[pl.ds(row0, ROWS_PER_SUB)],
                            out_hbm.at[c, pl.ds(row0, ROWS_PER_SUB)])

        @pl.when(s == NS - 1)
        def _():
            pltpu.sync_copy(acc_sh.at[pl.ds(row0, ROWS_LAST)],
                            out_hbm.at[c, pl.ds(row0, ROWS_LAST)])

    return k(feat, edge_flat)


BLK = 2000


def _tc_pre_body(feat_ref, w1t_ref, bias_ref, out_ref):
    out_ref[...] = jnp.dot(feat_ref[...], w1t_ref[...],
                           preferred_element_type=jnp.float32,
                           precision=lax.Precision.HIGHEST) + bias_ref[...]


def _tc_pre(feat, w1t, bias):
    return pl.pallas_call(
        _tc_pre_body,
        grid=(N // BLK,),
        in_specs=[
            pl.BlockSpec((BLK, F), lambda i: (i, 0)),
            pl.BlockSpec((F, F), lambda i: (0, 0)),
            pl.BlockSpec((1, F), lambda i: (0, 0)),
        ],
        out_specs=pl.BlockSpec((BLK, F), lambda i: (i, 0)),
        out_shape=jax.ShapeDtypeStruct((N, F), jnp.float32),
    )(feat, w1t, bias)


def _tc_post_body(pre_ref, p0_ref, p1_ref, deg_ref, w2t_ref, out_ref):
    ah = (p0_ref[0] + p1_ref[0]) / deg_ref[...]
    out_ref[...] = pre_ref[...] + jnp.dot(
        ah, w2t_ref[...],
        preferred_element_type=jnp.float32,
        precision=lax.Precision.HIGHEST)


def _tc_post(pre, partials, deg, w2t):
    return pl.pallas_call(
        _tc_post_body,
        grid=(N // BLK,),
        in_specs=[
            pl.BlockSpec((BLK, F), lambda i: (i, 0)),
            pl.BlockSpec((1, BLK, F), lambda i: (0, i, 0)),
            pl.BlockSpec((1, BLK, F), lambda i: (1, i, 0)),
            pl.BlockSpec((BLK, 1), lambda i: (i, 0)),
            pl.BlockSpec((F, F), lambda i: (0, 0)),
        ],
        out_specs=pl.BlockSpec((BLK, F), lambda i: (i, 0)),
        out_shape=jax.ShapeDtypeStruct((N, F), jnp.float32),
    )(pre, partials, partials, deg, w2t)


def kernel(feat, edge_index, in_deg, W1, b1, W2, b2):
    edge_flat = edge_index.reshape(2 * E)
    partials = _sc_segment_sum(feat, edge_flat)

    deg = in_deg.reshape(N, 1)
    bias = (b1 + b2).reshape(1, F)
    pre = _tc_pre(feat, W1.T, bias)
    return _tc_post(pre, partials, deg, W2.T)

# --- scband reference (transcript-rebuilt; emitter-appended) ---
"""Pipeline reference for scband-graph-sagelayer-37203006718144 (READ-ONLY COPY).

The authoritative reference and input builder live on the scoring server;
editing this copy changes nothing except your own understanding.
"""

import jax, jax.numpy as jnp
import numpy as np
import math

N = 10000
E = 320000
F_IN = 128
F_OUT = 128


def setup_inputs(seed: int = 0) -> dict:
    key = jax.random.key(seed)
    k1, k2, k3, k4, k5, k6, k7 = jax.random.split(key, 7)
    feat = jax.random.normal(k1, (N, F_IN), dtype=jnp.float32)
    edge_index = jax.random.randint(k2, (2, E), 0, N, dtype=jnp.int32)
    # in-degrees: randint per spec, clamped to >=1 to keep division well-defined
    in_deg = jnp.maximum(jax.random.randint(k3, (N,), 0, 64, dtype=jnp.int32), 1).astype(jnp.float32)
    stdv = 1.0 / math.sqrt(F_IN)
    W1 = jax.random.uniform(k4, (F_OUT, F_IN), minval=-stdv, maxval=stdv, dtype=jnp.float32)
    b1 = jax.random.uniform(k5, (F_OUT,), minval=-stdv, maxval=stdv, dtype=jnp.float32)
    W2 = jax.random.uniform(k6, (F_OUT, F_IN), minval=-stdv, maxval=stdv, dtype=jnp.float32)
    b2 = jax.random.uniform(k7, (F_OUT,), minval=-stdv, maxval=stdv, dtype=jnp.float32)
    return {"feat": feat, "edge_index": edge_index, "in_deg": in_deg,
            "W1": W1, "b1": b1, "W2": W2, "b2": b2}


def reference(feat, edge_index, in_deg, W1, b1, W2, b2):
    # GraphSAGE (training branch, use_pp=False), full graph: num_dst == N.
    # message passing: copy_u -> sum over incoming edges (scatter-add to dst)
    src = edge_index[0]
    dst = edge_index[1]
    msg = jnp.take(feat, src, axis=0)                       # gather  [E, F_in]
    agg = jax.ops.segment_sum(msg, dst, num_segments=N)     # scatter-add [N, F_in]
    ah = agg / in_deg[:, None]                               # mean aggregation
    # feat = linear1(feat[0:num_dst]) + linear2(ah); here num_dst == N
    out = feat @ W1.T + b1 + ah @ W2.T + b2
    return out

if __name__ == "__main__":
    import jax
    _d = setup_inputs()
    print(jax.jit(kernel)(*tuple(_d.values())))

</pallas_src>

<mosaic_0001>
#map = affine_map<(d0, d1) -> (0, 0)>
#map1 = affine_map<(d0, d1) -> (0)>
#map2 = affine_map<(d0, d1) -> (0, 0, 0)>
module attributes {stable_mosaic.version = 14 : i64} {
  func.func @k(%arg0: i32, %arg1: i32, %arg2: memref<10000x128xf32, #tpu.memory_space<hbm>>, %arg3: memref<640000xi32, #tpu.memory_space<hbm>>, %arg4: memref<2x10000x128xf32, #tpu.memory_space<hbm>>, %arg5: memref<4x80xi32, #tpu.memory_space<vmem>>, %arg6: memref<4x80xi32, #tpu.memory_space<vmem>>, %arg7: memref<4x80x128xf32, #tpu.memory_space<vmem>>, %arg8: memref<32x128xf32, #tpu.memory_space<vmem>>, %arg9: memref<10112x128xf32, #tpu.memory_space<vmem_shared>>, %arg10: memref<!tpu.dma_semaphore, #tpu.memory_space<semaphore_mem>>, %arg11: memref<!tpu.dma_semaphore, #tpu.memory_space<semaphore_mem>>, %arg12: memref<!tpu.dma_semaphore, #tpu.memory_space<semaphore_mem>>, %arg13: memref<!tpu.dma_semaphore, #tpu.memory_space<semaphore_mem>>, %arg14: memref<!tpu.dma_semaphore, #tpu.memory_space<semaphore_mem>>, %arg15: memref<!tpu.dma_semaphore, #tpu.memory_space<semaphore_mem>>, %arg16: memref<!tpu.dma_semaphore, #tpu.memory_space<semaphore_mem>>, %arg17: memref<!tpu.dma_semaphore, #tpu.memory_space<semaphore_mem>>, %arg18: memref<!tpu.dma_semaphore, #tpu.memory_space<semaphore_mem>>, %arg19: memref<!tpu.dma_semaphore, #tpu.memory_space<semaphore_mem>>, %arg20: memref<!tpu.dma_semaphore, #tpu.memory_space<semaphore_mem>>, %arg21: memref<!tpu.dma_semaphore, #tpu.memory_space<semaphore_mem>>, %arg22: memref<!tpu.dma_semaphore, #tpu.memory_space<semaphore_mem>>, %arg23: memref<!tpu.dma_semaphore, #tpu.memory_space<semaphore_mem>>, %arg24: memref<!tpu.dma_semaphore, #tpu.memory_space<semaphore_mem>>, %arg25: memref<!tpu.dma_semaphore, #tpu.memory_space<semaphore_mem>>, %arg26: memref<!tpu.dma_semaphore, #tpu.memory_space<semaphore_mem>>) attributes {dimension_semantics = [#tpu.dimension_semantics<core_parallel>, #tpu.dimension_semantics<subcore_parallel>], iteration_bounds = array<i64: 2, 16>, scalar_prefetch = 0 : i64, scratch_operands = 22 : i64, tpu.core_type = #tpu.core_type<sc_vector_subcore>, window_params = [{transform_indices = #map}, {transform_indices = #map1}, {transform_indices = #map2}]} {
    %mul3A = arith.constant 2 : i32
    %mul3A_0 = arith.muli %arg1, %mul3A : i32
    %add3A = arith.addi %mul3A_0, %arg0 : i32
    %mul3A_1 = arith.constant 632 : i32
    %mul3A_2 = arith.muli %arg1, %mul3A_1 : i32
    %lt3A = arith.constant 0 : i32
    %lt3A_3 = arith.cmpi slt, %add3A, %lt3A : i32
    %convert_element_type3A = arith.extui %lt3A_3 : i1 to i32
    %add3A_4 = arith.constant 125 : i32
    %add3A_5 = arith.addi %add3A_4, %convert_element_type3A : i32
    %mul3A_6 = arith.constant 125 : i32
    %mul3A_7 = arith.muli %mul3A_6, %add3A : i32
    %min3A = arith.constant 0 : i32
    %min3A_8 = arith.minsi %add3A, %min3A : i32
    %add3A_9 = arith.addi %mul3A_7, %min3A_8 : i32
    %add3A_10 = arith.constant 0 : i32
    %add3A_11 = arith.addi %add3A_9, %add3A_10 : i32
    %mul3A_12 = arith.constant 80 : i32
    %mul3A_13 = arith.muli %add3A_11, %mul3A_12 : i32
    %dma_start3A = arith.constant 0 : i32
    %dma_start3A_14 = arith.constant 0 : i32
    %dma_start3A_15 = tpu.memref_slice %arg5[%dma_start3A, %dma_start3A_14] : memref<4x80xi32, #tpu.memory_space<vmem>> -> memref<1x80xi32, #tpu.memory_space<vmem>>
    %dma_start3A_16 = tpu.memref_squeeze %dma_start3A_15 : memref<1x80xi32, #tpu.memory_space<vmem>> -> memref<80xi32, #tpu.memory_space<vmem>>
    %dma_start3A_17 = tpu.memref_slice %arg3[%mul3A_13] : memref<640000xi32, #tpu.memory_space<hbm>> -> memref<80xi32, #tpu.memory_space<hbm>>
    %dma_start3A_18 = arith.constant 0 : i32
    %dma_start3A_19 = tpu.memref_slice %arg5[%dma_start3A, %dma_start3A_18] : memref<4x80xi32, #tpu.memory_space<vmem>> -> memref<1x80xi32, #tpu.memory_space<vmem>>
    %dma_start3A_20 = tpu.memref_squeeze %dma_start3A_19 : memref<1x80xi32, #tpu.memory_space<vmem>> -> memref<80xi32, #tpu.memory_space<vmem>>
    %dma_start3A_21 = tpu.memref_slice %arg3[%mul3A_13] : memref<640000xi32, #tpu.memory_space<hbm>> -> memref<80xi32, #tpu.memory_space<hbm>>
    tpu.enqueue_dma source(%dma_start3A_21 : memref<80xi32, #tpu.memory_space<hbm>>) target(%dma_start3A_20 : memref<80xi32, #tpu.memory_space<vmem>>) target_semaphore(%arg18 : memref<!tpu.dma_semaphore, #tpu.memory_space<semaphore_mem>>)
    %add3A_22 = arith.constant 0 : i32
    %add3A_23 = arith.addi %add3A_9, %add3A_22 : i32
    %mul3A_24 = arith.constant 80 : i32
    %mul3A_25 = arith.muli %add3A_23, %mul3A_24 : i32
    %add3A_26 = arith.constant 320000 : i32
    %add3A_27 = arith.addi %add3A_26, %mul3A_25 : i32
    %dma_start3A_28 = arith.constant 0 : i32
    %dma_start3A_29 = arith.constant 0 : i32
    %dma_start3A_30 = tpu.memref_slice %arg6[%dma_start3A_28, %dma_start3A_29] : memref<4x80xi32, #tpu.memory_space<vmem>> -> memref<1x80xi32, #tpu.memory_space<vmem>>
    %dma_start3A_31 = tpu.memref_squeeze %dma_start3A_30 : memref<1x80xi32, #tpu.memory_space<vmem>> -> memref<80xi32, #tpu.memory_space<vmem>>
    %dma_start3A_32 = tpu.memref_slice %arg3[%add3A_27] : memref<640000xi32, #tpu.memory_space<hbm>> -> memref<80xi32, #tpu.memory_space<hbm>>
    %dma_start3A_33 = arith.constant 0 : i32
    %dma_start3A_34 = tpu.memref_slice %arg6[%dma_start3A_28, %dma_start3A_33] : memref<4x80xi32, #tpu.memory_space<vmem>> -> memref<1x80xi32, #tpu.memory_space<vmem>>
    %dma_start3A_35 = tpu.memref_squeeze %dma_start3A_34 : memref<1x80xi32, #tpu.memory_space<vmem>> -> memref<80xi32, #tpu.memory_space<vmem>>
    %dma_start3A_36 = tpu.memref_slice %arg3[%add3A_27] : memref<640000xi32, #tpu.memory_space<hbm>> -> memref<80xi32, #tpu.memory_space<hbm>>
    tpu.enqueue_dma source(%dma_start3A_36 : memref<80xi32, #tpu.memory_space<hbm>>) target(%dma_start3A_35 : memref<80xi32, #tpu.memory_space<vmem>>) target_semaphore(%arg22 : memref<!tpu.dma_semaphore, #tpu.memory_space<semaphore_mem>>)
    %add3A_37 = arith.constant 1 : i32
    %add3A_38 = arith.addi %add3A_9, %add3A_37 : i32
    %mul3A_39 = arith.constant 80 : i32
    %mul3A_40 = arith.muli %add3A_38, %mul3A_39 : i32
    %dma_start3A_41 = arith.constant 1 : i32
    %dma_start3A_42 = arith.constant 0 : i32
    %dma_start3A_43 = tpu.memref_slice %arg5[%dma_start3A_41, %dma_start3A_42] : memref<4x80xi32, #tpu.memory_space<vmem>> -> memref<1x80xi32, #tpu.memory_space<vmem>>
    %dma_start3A_44 = tpu.memref_squeeze %dma_start3A_43 : memref<1x80xi32, #tpu.memory_space<vmem>> -> memref<80xi32, #tpu.memory_space<vmem>>
    %dma_start3A_45 = tpu.memref_slice %arg3[%mul3A_40] : memref<640000xi32, #tpu.memory_space<hbm>> -> memref<80xi32, #tpu.memory_space<hbm>>
    %dma_start3A_46 = arith.constant 0 : i32
    %dma_start3A_47 = tpu.memref_slice %arg5[%dma_start3A_41, %dma_start3A_46] : memref<4x80xi32, #tpu.memory_space<vmem>> -> memref<1x80xi32, #tpu.memory_space<vmem>>
    %dma_start3A_48 = tpu.memref_squeeze %dma_start3A_47 : memref<1x80xi32, #tpu.memory_space<vmem>> -> memref<80xi32, #tpu.memory_space<vmem>>
    %dma_start3A_49 = tpu.memref_slice %arg3[%mul3A_40] : memref<640000xi32, #tpu.memory_space<hbm>> -> memref<80xi32, #tpu.memory_space<hbm>>
    tpu.enqueue_dma source(%dma_start3A_49 : memref<80xi32, #tpu.memory_space<hbm>>) target(%dma_start3A_48 : memref<80xi32, #tpu.memory_space<vmem>>) target_semaphore(%arg19 : memref<!tpu.dma_semaphore, #tpu.memory_space<semaphore_mem>>)
    %add3A_50 = arith.constant 1 : i32
    %add3A_51 = arith.addi %add3A_9, %add3A_50 : i32
    %mul3A_52 = arith.constant 80 : i32
    %mul3A_53 = arith.muli %add3A_51, %mul3A_52 : i32
    %add3A_54 = arith.constant 320000 : i32
    %add3A_55 = arith.addi %add3A_54, %mul3A_53 : i32
    %dma_start3A_56 = arith.constant 1 : i32
    %dma_start3A_57 = arith.constant 0 : i32
    %dma_start3A_58 = tpu.memref_slice %arg6[%dma_start3A_56, %dma_start3A_57] : memref<4x80xi32, #tpu.memory_space<vmem>> -> memref<1x80xi32, #tpu.memory_space<vmem>>
    %dma_start3A_59 = tpu.memref_squeeze %dma_start3A_58 : memref<1x80xi32, #tpu.memory_space<vmem>> -> memref<80xi32, #tpu.memory_space<vmem>>
    %dma_start3A_60 = tpu.memref_slice %arg3[%add3A_55] : memref<640000xi32, #tpu.memory_space<hbm>> -> memref<80xi32, #tpu.memory_space<hbm>>
    %dma_start3A_61 = arith.constant 0 : i32
    %dma_start3A_62 = tpu.memref_slice %arg6[%dma_start3A_56, %dma_start3A_61] : memref<4x80xi32, #tpu.memory_space<vmem>> -> memref<1x80xi32, #tpu.memory_space<vmem>>
    %dma_start3A_63 = tpu.memref_squeeze %dma_start3A_62 : memref<1x80xi32, #tpu.memory_space<vmem>> -> memref<80xi32, #tpu.memory_space<vmem>>
    %dma_start3A_64 = tpu.memref_slice %arg3[%add3A_55] : memref<640000xi32, #tpu.memory_space<hbm>> -> memref<80xi32, #tpu.memory_space<hbm>>
    tpu.enqueue_dma source(%dma_start3A_64 : memref<80xi32, #tpu.memory_space<hbm>>) target(%dma_start3A_63 : memref<80xi32, #tpu.memory_space<vmem>>) target_semaphore(%arg23 : memref<!tpu.dma_semaphore, #tpu.memory_space<semaphore_mem>>)
    %add3A_65 = arith.constant 2 : i32
    %add3A_66 = arith.addi %add3A_9, %add3A_65 : i32
    %mul3A_67 = arith.constant 80 : i32
    %mul3A_68 = arith.muli %add3A_66, %mul3A_67 : i32
    %dma_start3A_69 = arith.constant 2 : i32
    %dma_start3A_70 = arith.constant 0 : i32
    %dma_start3A_71 = tpu.memref_slice %arg5[%dma_start3A_69, %dma_start3A_70] : memref<4x80xi32, #tpu.memory_space<vmem>> -> memref<1x80xi32, #tpu.memory_space<vmem>>
    %dma_start3A_72 = tpu.memref_squeeze %dma_start3A_71 : memref<1x80xi32, #tpu.memory_space<vmem>> -> memref<80xi32, #tpu.memory_space<vmem>>
    %dma_start3A_73 = tpu.memref_slice %arg3[%mul3A_68] : memref<640000xi32, #tpu.memory_space<hbm>> -> memref<80xi32, #tpu.memory_space<hbm>>
    %dma_start3A_74 = arith.constant 0 : i32
    %dma_start3A_75 = tpu.memref_slice %arg5[%dma_start3A_69, %dma_start3A_74] : memref<4x80xi32, #tpu.memory_space<vmem>> -> memref<1x80xi32, #tpu.memory_space<vmem>>
    %dma_start3A_76 = tpu.memref_squeeze %dma_start3A_75 : memref<1x80xi32, #tpu.memory_space<vmem>> -> memref<80xi32, #tpu.memory_space<vmem>>
    %dma_start3A_77 = tpu.memref_slice %arg3[%mul3A_68] : memref<640000xi32, #tpu.memory_space<hbm>> -> memref<80xi32, #tpu.memory_space<hbm>>
    tpu.enqueue_dma source(%dma_start3A_77 : memref<80xi32, #tpu.memory_space<hbm>>) target(%dma_start3A_76 : memref<80xi32, #tpu.memory_space<vmem>>) target_semaphore(%arg20 : memref<!tpu.dma_semaphore, #tpu.memory_space<semaphore_mem>>)
    %add3A_78 = arith.constant 2 : i32
    %add3A_79 = arith.addi %add3A_9, %add3A_78 : i32
    %mul3A_80 = arith.constant 80 : i32
    %mul3A_81 = arith.muli %add3A_79, %mul3A_80 : i32
    %add3A_82 = arith.constant 320000 : i32
    %add3A_83 = arith.addi %add3A_82, %mul3A_81 : i32
    %dma_start3A_84 = arith.constant 2 : i32
    %dma_start3A_85 = arith.constant 0 : i32
    %dma_start3A_86 = tpu.memref_slice %arg6[%dma_start3A_84, %dma_start3A_85] : memref<4x80xi32, #tpu.memory_space<vmem>> -> memref<1x80xi32, #tpu.memory_space<vmem>>
    %dma_start3A_87 = tpu.memref_squeeze %dma_start3A_86 : memref<1x80xi32, #tpu.memory_space<vmem>> -> memref<80xi32, #tpu.memory_space<vmem>>
    %dma_start3A_88 = tpu.memref_slice %arg3[%add3A_83] : memref<640000xi32, #tpu.memory_space<hbm>> -> memref<80xi32, #tpu.memory_space<hbm>>
    %dma_start3A_89 = arith.constant 0 : i32
    %dma_start3A_90 = tpu.memref_slice %arg6[%dma_start3A_84, %dma_start3A_89] : memref<4x80xi32, #tpu.memory_space<vmem>> -> memref<1x80xi32, #tpu.memory_space<vmem>>
    %dma_start3A_91 = tpu.memref_squeeze %dma_start3A_90 : memref<1x80xi32, #tpu.memory_space<vmem>> -> memref<80xi32, #tpu.memory_space<vmem>>
    %dma_start3A_92 = tpu.memref_slice %arg3[%add3A_83] : memref<640000xi32, #tpu.memory_space<hbm>> -> memref<80xi32, #tpu.memory_space<hbm>>
    tpu.enqueue_dma source(%dma_start3A_92 : memref<80xi32, #tpu.memory_space<hbm>>) target(%dma_start3A_91 : memref<80xi32, #tpu.memory_space<vmem>>) target_semaphore(%arg24 : memref<!tpu.dma_semaphore, #tpu.memory_space<semaphore_mem>>)
    %add3A_93 = arith.constant 3 : i32
    %add3A_94 = arith.addi %add3A_9, %add3A_93 : i32
    %mul3A_95 = arith.constant 80 : i32
    %mul3A_96 = arith.muli %add3A_94, %mul3A_95 : i32
    %dma_start3A_97 = arith.constant 3 : i32
    %dma_start3A_98 = arith.constant 0 : i32
    %dma_start3A_99 = tpu.memref_slice %arg5[%dma_start3A_97, %dma_start3A_98] : memref<4x80xi32, #tpu.memory_space<vmem>> -> memref<1x80xi32, #tpu.memory_space<vmem>>
    %dma_start3A_100 = tpu.memref_squeeze %dma_start3A_99 : memref<1x80xi32, #tpu.memory_space<vmem>> -> memref<80xi32, #tpu.memory_space<vmem>>
    %dma_start3A_101 = tpu.memref_slice %arg3[%mul3A_96] : memref<640000xi32, #tpu.memory_space<hbm>> -> memref<80xi32, #tpu.memory_space<hbm>>
    %dma_start3A_102 = arith.constant 0 : i32
    %dma_start3A_103 = tpu.memref_slice %arg5[%dma_start3A_97, %dma_start3A_102] : memref<4x80xi32, #tpu.memory_space<vmem>> -> memref<1x80xi32, #tpu.memory_space<vmem>>
    %dma_start3A_104 = tpu.memref_squeeze %dma_start3A_103 : memref<1x80xi32, #tpu.memory_space<vmem>> -> memref<80xi32, #tpu.memory_space<vmem>>
    %dma_start3A_105 = tpu.memref_slice %arg3[%mul3A_96] : memref<640000xi32, #tpu.memory_space<hbm>> -> memref<80xi32, #tpu.memory_space<hbm>>
    tpu.enqueue_dma source(%dma_start3A_105 : memref<80xi32, #tpu.memory_space<hbm>>) target(%dma_start3A_104 : memref<80xi32, #tpu.memory_space<vmem>>) target_semaphore(%arg21 : memref<!tpu.dma_semaphore, #tpu.memory_space<semaphore_mem>>)
    %add3A_106 = arith.constant 3 : i32
    %add3A_107 = arith.addi %add3A_9, %add3A_106 : i32
    %mul3A_108 = arith.constant 80 : i32
    %mul3A_109 = arith.muli %add3A_107, %mul3A_108 : i32
    %add3A_110 = arith.constant 320000 : i32
    %add3A_111 = arith.addi %add3A_110, %mul3A_109 : i32
    %dma_start3A_112 = arith.constant 3 : i32
    %dma_start3A_113 = arith.constant 0 : i32
    %dma_start3A_114 = tpu.memref_slice %arg6[%dma_start3A_112, %dma_start3A_113] : memref<4x80xi32, #tpu.memory_space<vmem>> -> memref<1x80xi32, #tpu.memory_space<vmem>>
    %dma_start3A_115 = tpu.memref_squeeze %dma_start3A_114 : memref<1x80xi32, #tpu.memory_space<vmem>> -> memref<80xi32, #tpu.memory_space<vmem>>
    %dma_start3A_116 = tpu.memref_slice %arg3[%add3A_111] : memref<640000xi32, #tpu.memory_space<hbm>> -> memref<80xi32, #tpu.memory_space<hbm>>
    %dma_start3A_117 = arith.constant 0 : i32
    %dma_start3A_118 = tpu.memref_slice %arg6[%dma_start3A_112, %dma_start3A_117] : memref<4x80xi32, #tpu.memory_space<vmem>> -> memref<1x80xi32, #tpu.memory_space<vmem>>
    %dma_start3A_119 = tpu.memref_squeeze %dma_start3A_118 : memref<1x80xi32, #tpu.memory_space<vmem>> -> memref<80xi32, #tpu.memory_space<vmem>>
    %dma_start3A_120 = tpu.memref_slice %arg3[%add3A_111] : memref<640000xi32, #tpu.memory_space<hbm>> -> memref<80xi32, #tpu.memory_space<hbm>>
    tpu.enqueue_dma source(%dma_start3A_120 : memref<80xi32, #tpu.memory_space<hbm>>) target(%dma_start3A_119 : memref<80xi32, #tpu.memory_space<vmem>>) target_semaphore(%arg25 : memref<!tpu.dma_semaphore, #tpu.memory_space<semaphore_mem>>)
    %broadcast_in_dim3A = arith.constant 0.000000e+00 : f32
    %broadcast_in_dim3A_121 = vector.broadcast %broadcast_in_dim3A : f32 to vector<16xf32>
    %scan3A = arith.constant 0 : i32
    %scan3A_122 = arith.constant 32 : i32
    %scan3A_123 = arith.addi %scan3A, %scan3A_122 : i32
    %scan3A_124 = arith.constant 1 : i32
    scf.for %scan3A_543 = %scan3A to %scan3A_123 step %scan3A_124  : i32 {
      %mul3A_544 = arith.constant 1 : i32
      %mul3A_545 = arith.muli %scan3A_543, %mul3A_544 : i32
      %add3A_546 = arith.constant 0 : i32
      %add3A_547 = arith.addi %add3A_546, %mul3A_545 : i32
      %swap3A = arith.index_cast %add3A_547 : i32 to index
      %swap3A_548 = arith.constant 0 : index
      %swap3A_549 = tpu.vector_load %arg8[%swap3A, %swap3A_548] {strides = array<i32>} : memref<32x128xf32, #tpu.memory_space<vmem>>, vector<1x16xf32>,
      %swap3A_550 = vector.shape_cast %swap3A_549 : vector<1x16xf32> to vector<16xf32>
      %swap3A_551 = vector.shape_cast %broadcast_in_dim3A_121 : vector<16xf32> to vector<1x16xf32>
      tpu.vector_store %arg8[%swap3A, %swap3A_548], %swap3A_551 {strides = array<i32>} : memref<32x128xf32, #tpu.memory_space<vmem>>, vector<1x16xf32>,
      %swap3A_552 = arith.index_cast %add3A_547 : i32 to index
      %swap3A_553 = arith.constant 16 : index
      %swap3A_554 = tpu.vector_load %arg8[%swap3A_552, %swap3A_553] {strides = array<i32>} : memref<32x128xf32, #tpu.memory_space<vmem>>, vector<1x16xf32>,
      %swap3A_555 = vector.shape_cast %swap3A_554 : vector<1x16xf32> to vector<16xf32>
      %swap3A_556 = vector.shape_cast %broadcast_in_dim3A_121 : vector<16xf32> to vector<1x16xf32>
      tpu.vector_store %arg8[%swap3A_552, %swap3A_553], %swap3A_556 {strides = array<i32>} : memref<32x128xf32, #tpu.memory_space<vmem>>, vector<1x16xf32>,
      %swap3A_557 = arith.index_cast %add3A_547 : i32 to index
      %swap3A_558 = arith.constant 32 : index
      %swap3A_559 = tpu.vector_load %arg8[%swap3A_557, %swap3A_558] {strides = array<i32>} : memref<32x128xf32, #tpu.memory_space<vmem>>, vector<1x16xf32>,
      %swap3A_560 = vector.shape_cast %swap3A_559 : vector<1x16xf32> to vector<16xf32>
      %swap3A_561 = vector.shape_cast %broadcast_in_dim3A_121 : vector<16xf32> to vector<1x16xf32>
      tpu.vector_store %arg8[%swap3A_557, %swap3A_558], %swap3A_561 {strides = array<i32>} : memref<32x128xf32, #tpu.memory_space<vmem>>, vector<1x16xf32>,
      %swap3A_562 = arith.index_cast %add3A_547 : i32 to index
      %swap3A_563 = arith.constant 48 : index
      %swap3A_564 = tpu.vector_load %arg8[%swap3A_562, %swap3A_563] {strides = array<i32>} : memref<32x128xf32, #tpu.memory_space<vmem>>, vector<1x16xf32>,
      %swap3A_565 = vector.shape_cast %swap3A_564 : vector<1x16xf32> to vector<16xf32>
      %swap3A_566 = vector.shape_cast %broadcast_in_dim3A_121 : vector<16xf32> to vector<1x16xf32>
      tpu.vector_store %arg8[%swap3A_562, %swap3A_563], %swap3A_566 {strides = array<i32>} : memref<32x128xf32, #tpu.memory_space<vmem>>, vector<1x16xf32>,
      %swap3A_567 = arith.index_cast %add3A_547 : i32 to index
      %swap3A_568 = arith.constant 64 : index
      %swap3A_569 = tpu.vector_load %arg8[%swap3A_567, %swap3A_568] {strides = array<i32>} : memref<32x128xf32, #tpu.memory_space<vmem>>, vector<1x16xf32>,
      %swap3A_570 = vector.shape_cast %swap3A_569 : vector<1x16xf32> to vector<16xf32>
      %swap3A_571 = vector.shape_cast %broadcast_in_dim3A_121 : vector<16xf32> to vector<1x16xf32>
      tpu.vector_store %arg8[%swap3A_567, %swap3A_568], %swap3A_571 {strides = array<i32>} : memref<32x128xf32, #tpu.memory_space<vmem>>, vector<1x16xf32>,
      %swap3A_572 = arith.index_cast %add3A_547 : i32 to index
      %swap3A_573 = arith.constant 80 : index
      %swap3A_574 = tpu.vector_load %arg8[%swap3A_572, %swap3A_573] {strides = array<i32>} : memref<32x128xf32, #tpu.memory_space<vmem>>, vector<1x16xf32>,
      %swap3A_575 = vector.shape_cast %swap3A_574 : vector<1x16xf32> to vector<16xf32>
      %swap3A_576 = vector.shape_cast %broadcast_in_dim3A_121 : vector<16xf32> to vector<1x16xf32>
      tpu.vector_store %arg8[%swap3A_572, %swap3A_573], %swap3A_576 {strides = array<i32>} : memref<32x128xf32, #tpu.memory_space<vmem>>, vector<1x16xf32>,
      %swap3A_577 = arith.index_cast %add3A_547 : i32 to index
      %swap3A_578 = arith.constant 96 : index
      %swap3A_579 = tpu.vector_load %arg8[%swap3A_577, %swap3A_578] {strides = array<i32>} : memref<32x128xf32, #tpu.memory_space<vmem>>, vector<1x16xf32>,
      %swap3A_580 = vector.shape_cast %swap3A_579 : vector<1x16xf32> to vector<16xf32>
      %swap3A_581 = vector.shape_cast %broadcast_in_dim3A_121 : vector<16xf32> to vector<1x16xf32>
      tpu.vector_store %arg8[%swap3A_577, %swap3A_578], %swap3A_581 {strides = array<i32>} : memref<32x128xf32, #tpu.memory_space<vmem>>, vector<1x16xf32>,
      %swap3A_582 = arith.index_cast %add3A_547 : i32 to index
      %swap3A_583 = arith.constant 112 : index
      %swap3A_584 = tpu.vector_load %arg8[%swap3A_582, %swap3A_583] {strides = array<i32>} : memref<32x128xf32, #tpu.memory_space<vmem>>, vector<1x16xf32>,
      %swap3A_585 = vector.shape_cast %swap3A_584 : vector<1x16xf32> to vector<16xf32>
      %swap3A_586 = vector.shape_cast %broadcast_in_dim3A_121 : vector<16xf32> to vector<1x16xf32>
      tpu.vector_store %arg8[%swap3A_582, %swap3A_583], %swap3A_586 {strides = array<i32>} : memref<32x128xf32, #tpu.memory_space<vmem>>, vector<1x16xf32>,
    }
    %scan3A_125 = arith.constant 32 : i32
    %add3A_126 = arith.constant 0 : i32
    %add3A_127 = arith.addi %mul3A_2, %add3A_126 : i32
    %dma_start3A_128 = arith.constant 0 : i32
    %dma_start3A_129 = tpu.memref_slice %arg9[%add3A_127, %dma_start3A_128] : memref<10112x128xf32, #tpu.memory_space<vmem_shared>> -> memref<32x128xf32, #tpu.memory_space<vmem_shared>>
    %dma_start3A_130 = arith.constant 0 : i32
    %dma_start3A_131 = tpu.memref_slice %arg9[%add3A_127, %dma_start3A_130] : memref<10112x128xf32, #tpu.memory_space<vmem_shared>> -> memref<32x128xf32, #tpu.memory_space<vmem_shared>>
    tpu.enqueue_dma source(%arg8 : memref<32x128xf32, #tpu.memory_space<vmem>>) target(%dma_start3A_131 : memref<32x128xf32, #tpu.memory_space<vmem_shared>>) target_semaphore(%arg26 : memref<!tpu.dma_semaphore, #tpu.memory_space<semaphore_mem>>)
    %add3A_132 = arith.constant 32 : i32
    %add3A_133 = arith.addi %mul3A_2, %add3A_132 : i32
    %dma_start3A_134 = arith.constant 0 : i32
    %dma_start3A_135 = tpu.memref_slice %arg9[%add3A_133, %dma_start3A_134] : memref<10112x128xf32, #tpu.memory_space<vmem_shared>> -> memref<32x128xf32, #tpu.memory_space<vmem_shared>>
    %dma_start3A_136 = arith.constant 0 : i32
    %dma_start3A_137 = tpu.memref_slice %arg9[%add3A_133, %dma_start3A_136] : memref<10112x128xf32, #tpu.memory_space<vmem_shared>> -> memref<32x128xf32, #tpu.memory_space<vmem_shared>>
    tpu.enqueue_dma source(%arg8 : memref<32x128xf32, #tpu.memory_space<vmem>>) target(%dma_start3A_137 : memref<32x128xf32, #tpu.memory_space<vmem_shared>>) target_semaphore(%arg26 : memref<!tpu.dma_semaphore, #tpu.memory_space<semaphore_mem>>)
    %add3A_138 = arith.constant 64 : i32
    %add3A_139 = arith.addi %mul3A_2, %add3A_138 : i32
    %dma_start3A_140 = arith.constant 0 : i32
    %dma_start3A_141 = tpu.memref_slice %arg9[%add3A_139, %dma_start3A_140] : memref<10112x128xf32, #tpu.memory_space<vmem_shared>> -> memref<32x128xf32, #tpu.memory_space<vmem_shared>>
    %dma_start3A_142 = arith.constant 0 : i32
    %dma_start3A_143 = tpu.memref_slice %arg9[%add3A_139, %dma_start3A_142] : memref<10112x128xf32, #tpu.memory_space<vmem_shared>> -> memref<32x128xf32, #tpu.memory_space<vmem_shared>>
    tpu.enqueue_dma source(%arg8 : memref<32x128xf32, #tpu.memory_space<vmem>>) target(%dma_start3A_143 : memref<32x128xf32, #tpu.memory_space<vmem_shared>>) target_semaphore(%arg26 : memref<!tpu.dma_semaphore, #tpu.memory_space<semaphore_mem>>)
    %add3A_144 = arith.constant 96 : i32
    %add3A_145 = arith.addi %mul3A_2, %add3A_144 : i32
    %dma_start3A_146 = arith.constant 0 : i32
    %dma_start3A_147 = tpu.memref_slice %arg9[%add3A_145, %dma_start3A_146] : memref<10112x128xf32, #tpu.memory_space<vmem_shared>> -> memref<32x128xf32, #tpu.memory_space<vmem_shared>>
    %dma_start3A_148 = arith.constant 0 : i32
    %dma_start3A_149 = tpu.memref_slice %arg9[%add3A_145, %dma_start3A_148] : memref<10112x128xf32, #tpu.memory_space<vmem_shared>> -> memref<32x128xf32, #tpu.memory_space<vmem_shared>>
    tpu.enqueue_dma source(%arg8 : memref<32x128xf32, #tpu.memory_space<vmem>>) target(%dma_start3A_149 : memref<32x128xf32, #tpu.memory_space<vmem_shared>>) target_semaphore(%arg26 : memref<!tpu.dma_semaphore, #tpu.memory_space<semaphore_mem>>)
    %add3A_150 = arith.constant 128 : i32
    %add3A_151 = arith.addi %mul3A_2, %add3A_150 : i32
    %dma_start3A_152 = arith.constant 0 : i32
    %dma_start3A_153 = tpu.memref_slice %arg9[%add3A_151, %dma_start3A_152] : memref<10112x128xf32, #tpu.memory_space<vmem_shared>> -> memref<32x128xf32, #tpu.memory_space<vmem_shared>>
    %dma_start3A_154 = arith.constant 0 : i32
    %dma_start3A_155 = tpu.memref_slice %arg9[%add3A_151, %dma_start3A_154] : memref<10112x128xf32, #tpu.memory_space<vmem_shared>> -> memref<32x128xf32, #tpu.memory_space<vmem_shared>>
    tpu.enqueue_dma source(%arg8 : memref<32x128xf32, #tpu.memory_space<vmem>>) target(%dma_start3A_155 : memref<32x128xf32, #tpu.memory_space<vmem_shared>>) target_semaphore(%arg26 : memref<!tpu.dma_semaphore, #tpu.memory_space<semaphore_mem>>)
    %add3A_156 = arith.constant 160 : i32
    %add3A_157 = arith.addi %mul3A_2, %add3A_156 : i32
    %dma_start3A_158 = arith.constant 0 : i32
    %dma_start3A_159 = tpu.memref_slice %arg9[%add3A_157, %dma_start3A_158] : memref<10112x128xf32, #tpu.memory_space<vmem_shared>> -> memref<32x128xf32, #tpu.memory_space<vmem_shared>>
    %dma_start3A_160 = arith.constant 0 : i32
    %dma_start3A_161 = tpu.memref_slice %arg9[%add3A_157, %dma_start3A_160] : memref<10112x128xf32, #tpu.memory_space<vmem_shared>> -> memref<32x128xf32, #tpu.memory_space<vmem_shared>>
    tpu.enqueue_dma source(%arg8 : memref<32x128xf32, #tpu.memory_space<vmem>>) target(%dma_start3A_161 : memref<32x128xf32, #tpu.memory_space<vmem_shared>>) target_semaphore(%arg26 : memref<!tpu.dma_semaphore, #tpu.memory_space<semaphore_mem>>)
    %add3A_162 = arith.constant 192 : i32
    %add3A_163 = arith.addi %mul3A_2, %add3A_162 : i32
    %dma_start3A_164 = arith.constant 0 : i32
    %dma_start3A_165 = tpu.memref_slice %arg9[%add3A_163, %dma_start3A_164] : memref<10112x128xf32, #tpu.memory_space<vmem_shared>> -> memref<32x128xf32, #tpu.memory_space<vmem_shared>>
    %dma_start3A_166 = arith.constant 0 : i32
    %dma_start3A_167 = tpu.memref_slice %arg9[%add3A_163, %dma_start3A_166] : memref<10112x128xf32, #tpu.memory_space<vmem_shared>> -> memref<32x128xf32, #tpu.memory_space<vmem_shared>>
    tpu.enqueue_dma source(%arg8 : memref<32x128xf32, #tpu.memory_space<vmem>>) target(%dma_start3A_167 : memref<32x128xf32, #tpu.memory_space<vmem_shared>>) target_semaphore(%arg26 : memref<!tpu.dma_semaphore, #tpu.memory_space<semaphore_mem>>)
    %add3A_168 = arith.constant 224 : i32
    %add3A_169 = arith.addi %mul3A_2, %add3A_168 : i32
    %dma_start3A_170 = arith.constant 0 : i32
    %dma_start3A_171 = tpu.memref_slice %arg9[%add3A_169, %dma_start3A_170] : memref<10112x128xf32, #tpu.memory_space<vmem_shared>> -> memref<32x128xf32, #tpu.memory_space<vmem_shared>>
    %dma_start3A_172 = arith.constant 0 : i32
    %dma_start3A_173 = tpu.memref_slice %arg9[%add3A_169, %dma_start3A_172] : memref<10112x128xf32, #tpu.memory_space<vmem_shared>> -> memref<32x128xf32, #tpu.memory_space<vmem_shared>>
    tpu.enqueue_dma source(%arg8 : memref<32x128xf32, #tpu.memory_space<vmem>>) target(%dma_start3A_173 : memref<32x128xf32, #tpu.memory_space<vmem_shared>>) target_semaphore(%arg26 : memref<!tpu.dma_semaphore, #tpu.memory_space<semaphore_mem>>)
    %add3A_174 = arith.constant 256 : i32
    %add3A_175 = arith.addi %mul3A_2, %add3A_174 : i32
    %dma_start3A_176 = arith.constant 0 : i32
    %dma_start3A_177 = tpu.memref_slice %arg9[%add3A_175, %dma_start3A_176] : memref<10112x128xf32, #tpu.memory_space<vmem_shared>> -> memref<32x128xf32, #tpu.memory_space<vmem_shared>>
    %dma_start3A_178 = arith.constant 0 : i32
    %dma_start3A_179 = tpu.memref_slice %arg9[%add3A_175, %dma_start3A_178] : memref<10112x128xf32, #tpu.memory_space<vmem_shared>> -> memref<32x128xf32, #tpu.memory_space<vmem_shared>>
    tpu.enqueue_dma source(%arg8 : memref<32x128xf32, #tpu.memory_space<vmem>>) target(%dma_start3A_179 : memref<32x128xf32, #tpu.memory_space<vmem_shared>>) target_semaphore(%arg26 : memref<!tpu.dma_semaphore, #tpu.memory_space<semaphore_mem>>)
    %add3A_180 = arith.constant 288 : i32
    %add3A_181 = arith.addi %mul3A_2, %add3A_180 : i32
    %dma_start3A_182 = arith.constant 0 : i32
    %dma_start3A_183 = tpu.memref_slice %arg9[%add3A_181, %dma_start3A_182] : memref<10112x128xf32, #tpu.memory_space<vmem_shared>> -> memref<32x128xf32, #tpu.memory_space<vmem_shared>>
    %dma_start3A_184 = arith.constant 0 : i32
    %dma_start3A_185 = tpu.memref_slice %arg9[%add3A_181, %dma_start3A_184] : memref<10112x128xf32, #tpu.memory_space<vmem_shared>> -> memref<32x128xf32, #tpu.memory_space<vmem_shared>>
    tpu.enqueue_dma source(%arg8 : memref<32x128xf32, #tpu.memory_space<vmem>>) target(%dma_start3A_185 : memref<32x128xf32, #tpu.memory_space<vmem_shared>>) target_semaphore(%arg26 : memref<!tpu.dma_semaphore, #tpu.memory_space<semaphore_mem>>)
    %add3A_186 = arith.constant 320 : i32
    %add3A_187 = arith.addi %mul3A_2, %add3A_186 : i32
    %dma_start3A_188 = arith.constant 0 : i32
    %dma_start3A_189 = tpu.memref_slice %arg9[%add3A_187, %dma_start3A_188] : memref<10112x128xf32, #tpu.memory_space<vmem_shared>> -> memref<32x128xf32, #tpu.memory_space<vmem_shared>>
    %dma_start3A_190 = arith.constant 0 : i32
    %dma_start3A_191 = tpu.memref_slice %arg9[%add3A_187, %dma_start3A_190] : memref<10112x128xf32, #tpu.memory_space<vmem_shared>> -> memref<32x128xf32, #tpu.memory_space<vmem_shared>>
    tpu.enqueue_dma source(%arg8 : memref<32x128xf32, #tpu.memory_space<vmem>>) target(%dma_start3A_191 : memref<32x128xf32, #tpu.memory_space<vmem_shared>>) target_semaphore(%arg26 : memref<!tpu.dma_semaphore, #tpu.memory_space<semaphore_mem>>)
    %add3A_192 = arith.constant 352 : i32
    %add3A_193 = arith.addi %mul3A_2, %add3A_192 : i32
    %dma_start3A_194 = arith.constant 0 : i32
    %dma_start3A_195 = tpu.memref_slice %arg9[%add3A_193, %dma_start3A_194] : memref<10112x128xf32, #tpu.memory_space<vmem_shared>> -> memref<32x128xf32, #tpu.memory_space<vmem_shared>>
    %dma_start3A_196 = arith.constant 0 : i32
    %dma_start3A_197 = tpu.memref_slice %arg9[%add3A_193, %dma_start3A_196] : memref<10112x128xf32, #tpu.memory_space<vmem_shared>> -> memref<32x128xf32, #tpu.memory_space<vmem_shared>>
    tpu.enqueue_dma source(%arg8 : memref<32x128xf32, #tpu.memory_space<vmem>>) target(%dma_start3A_197 : memref<32x128xf32, #tpu.memory_space<vmem_shared>>) target_semaphore(%arg26 : memref<!tpu.dma_semaphore, #tpu.memory_space<semaphore_mem>>)
    %add3A_198 = arith.constant 384 : i32
    %add3A_199 = arith.addi %mul3A_2, %add3A_198 : i32
    %dma_start3A_200 = arith.constant 0 : i32
    %dma_start3A_201 = tpu.memref_slice %arg9[%add3A_199, %dma_start3A_200] : memref<10112x128xf32, #tpu.memory_space<vmem_shared>> -> memref<32x128xf32, #tpu.memory_space<vmem_shared>>
    %dma_start3A_202 = arith.constant 0 : i32
    %dma_start3A_203 = tpu.memref_slice %arg9[%add3A_199, %dma_start3A_202] : memref<10112x128xf32, #tpu.memory_space<vmem_shared>> -> memref<32x128xf32, #tpu.memory_space<vmem_shared>>
    tpu.enqueue_dma source(%arg8 : memref<32x128xf32, #tpu.memory_space<vmem>>) target(%dma_start3A_203 : memref<32x128xf32, #tpu.memory_space<vmem_shared>>) target_semaphore(%arg26 : memref<!tpu.dma_semaphore, #tpu.memory_space<semaphore_mem>>)
    %add3A_204 = arith.constant 416 : i32
    %add3A_205 = arith.addi %mul3A_2, %add3A_204 : i32
    %dma_start3A_206 = arith.constant 0 : i32
    %dma_start3A_207 = tpu.memref_slice %arg9[%add3A_205, %dma_start3A_206] : memref<10112x128xf32, #tpu.memory_space<vmem_shared>> -> memref<32x128xf32, #tpu.memory_space<vmem_shared>>
    %dma_start3A_208 = arith.constant 0 : i32
    %dma_start3A_209 = tpu.memref_slice %arg9[%add3A_205, %dma_start3A_208] : memref<10112x128xf32, #tpu.memory_space<vmem_shared>> -> memref<32x128xf32, #tpu.memory_space<vmem_shared>>
    tpu.enqueue_dma source(%arg8 : memref<32x128xf32, #tpu.memory_space<vmem>>) target(%dma_start3A_209 : memref<32x128xf32, #tpu.memory_space<vmem_shared>>) target_semaphore(%arg26 : memref<!tpu.dma_semaphore, #tpu.memory_space<semaphore_mem>>)
    %add3A_210 = arith.constant 448 : i32
    %add3A_211 = arith.addi %mul3A_2, %add3A_210 : i32
    %dma_start3A_212 = arith.constant 0 : i32
    %dma_start3A_213 = tpu.memref_slice %arg9[%add3A_211, %dma_start3A_212] : memref<10112x128xf32, #tpu.memory_space<vmem_shared>> -> memref<32x128xf32, #tpu.memory_space<vmem_shared>>
    %dma_start3A_214 = arith.constant 0 : i32
    %dma_start3A_215 = tpu.memref_slice %arg9[%add3A_211, %dma_start3A_214] : memref<10112x128xf32, #tpu.memory_space<vmem_shared>> -> memref<32x128xf32, #tpu.memory_space<vmem_shared>>
    tpu.enqueue_dma source(%arg8 : memref<32x128xf32, #tpu.memory_space<vmem>>) target(%dma_start3A_215 : memref<32x128xf32, #tpu.memory_space<vmem_shared>>) target_semaphore(%arg26 : memref<!tpu.dma_semaphore, #tpu.memory_space<semaphore_mem>>)
    %add3A_216 = arith.constant 480 : i32
    %add3A_217 = arith.addi %mul3A_2, %add3A_216 : i32
    %dma_start3A_218 = arith.constant 0 : i32
    %dma_start3A_219 = tpu.memref_slice %arg9[%add3A_217, %dma_start3A_218] : memref<10112x128xf32, #tpu.memory_space<vmem_shared>> -> memref<32x128xf32, #tpu.memory_space<vmem_shared>>
    %dma_start3A_220 = arith.constant 0 : i32
    %dma_start3A_221 = tpu.memref_slice %arg9[%add3A_217, %dma_start3A_220] : memref<10112x128xf32, #tpu.memory_space<vmem_shared>> -> memref<32x128xf32, #tpu.memory_space<vmem_shared>>
    tpu.enqueue_dma source(%arg8 : memref<32x128xf32, #tpu.memory_space<vmem>>) target(%dma_start3A_221 : memref<32x128xf32, #tpu.memory_space<vmem_shared>>) target_semaphore(%arg26 : memref<!tpu.dma_semaphore, #tpu.memory_space<semaphore_mem>>)
    %add3A_222 = arith.constant 512 : i32
    %add3A_223 = arith.addi %mul3A_2, %add3A_222 : i32
    %dma_start3A_224 = arith.constant 0 : i32
    %dma_start3A_225 = tpu.memref_slice %arg9[%add3A_223, %dma_start3A_224] : memref<10112x128xf32, #tpu.memory_space<vmem_shared>> -> memref<32x128xf32, #tpu.memory_space<vmem_shared>>
    %dma_start3A_226 = arith.constant 0 : i32
    %dma_start3A_227 = tpu.memref_slice %arg9[%add3A_223, %dma_start3A_226] : memref<10112x128xf32, #tpu.memory_space<vmem_shared>> -> memref<32x128xf32, #tpu.memory_space<vmem_shared>>
    tpu.enqueue_dma source(%arg8 : memref<32x128xf32, #tpu.memory_space<vmem>>) target(%dma_start3A_227 : memref<32x128xf32, #tpu.memory_space<vmem_shared>>) target_semaphore(%arg26 : memref<!tpu.dma_semaphore, #tpu.memory_space<semaphore_mem>>)
    %add3A_228 = arith.constant 544 : i32
    %add3A_229 = arith.addi %mul3A_2, %add3A_228 : i32
    %dma_start3A_230 = arith.constant 0 : i32
    %dma_start3A_231 = tpu.memref_slice %arg9[%add3A_229, %dma_start3A_230] : memref<10112x128xf32, #tpu.memory_space<vmem_shared>> -> memref<32x128xf32, #tpu.memory_space<vmem_shared>>
    %dma_start3A_232 = arith.constant 0 : i32
    %dma_start3A_233 = tpu.memref_slice %arg9[%add3A_229, %dma_start3A_232] : memref<10112x128xf32, #tpu.memory_space<vmem_shared>> -> memref<32x128xf32, #tpu.memory_space<vmem_shared>>
    tpu.enqueue_dma source(%arg8 : memref<32x128xf32, #tpu.memory_space<vmem>>) target(%dma_start3A_233 : memref<32x128xf32, #tpu.memory_space<vmem_shared>>) target_semaphore(%arg26 : memref<!tpu.dma_semaphore, #tpu.memory_space<semaphore_mem>>)
    %add3A_234 = arith.constant 576 : i32
    %add3A_235 = arith.addi %mul3A_2, %add3A_234 : i32
    %dma_start3A_236 = arith.constant 0 : i32
    %dma_start3A_237 = tpu.memref_slice %arg9[%add3A_235, %dma_start3A_236] : memref<10112x128xf32, #tpu.memory_space<vmem_shared>> -> memref<32x128xf32, #tpu.memory_space<vmem_shared>>
    %dma_start3A_238 = arith.constant 0 : i32
    %dma_start3A_239 = tpu.memref_slice %arg9[%add3A_235, %dma_start3A_238] : memref<10112x128xf32, #tpu.memory_space<vmem_shared>> -> memref<32x128xf32, #tpu.memory_space<vmem_shared>>
    tpu.enqueue_dma source(%arg8 : memref<32x128xf32, #tpu.memory_space<vmem>>) target(%dma_start3A_239 : memref<32x128xf32, #tpu.memory_space<vmem_shared>>) target_semaphore(%arg26 : memref<!tpu.dma_semaphore, #tpu.memory_space<semaphore_mem>>)
    %add3A_240 = arith.constant 608 : i32
    %add3A_241 = arith.addi %mul3A_2, %add3A_240 : i32
    %dma_start3A_242 = arith.constant 0 : i32
    %dma_start3A_243 = arith.constant 0 : i32
    %dma_start3A_244 = tpu.memref_slice %arg8[%dma_start3A_242, %dma_start3A_243] : memref<32x128xf32, #tpu.memory_space<vmem>> -> memref<24x128xf32, #tpu.memory_space<vmem>>
    %dma_start3A_245 = arith.constant 0 : i32
    %dma_start3A_246 = tpu.memref_slice %arg9[%add3A_241, %dma_start3A_245] : memref<10112x128xf32, #tpu.memory_space<vmem_shared>> -> memref<24x128xf32, #tpu.memory_space<vmem_shared>>
    %dma_start3A_247 = arith.constant 0 : i32
    %dma_start3A_248 = tpu.memref_slice %arg9[%add3A_241, %dma_start3A_247] : memref<10112x128xf32, #tpu.memory_space<vmem_shared>> -> memref<24x128xf32, #tpu.memory_space<vmem_shared>>
    %dma_start3A_249 = arith.constant 0 : i32
    %dma_start3A_250 = arith.constant 0 : i32
    %dma_start3A_251 = tpu.memref_slice %arg8[%dma_start3A_249, %dma_start3A_250] : memref<32x128xf32, #tpu.memory_space<vmem>> -> memref<24x128xf32, #tpu.memory_space<vmem>>
    tpu.enqueue_dma source(%dma_start3A_251 : memref<24x128xf32, #tpu.memory_space<vmem>>) target(%dma_start3A_248 : memref<24x128xf32, #tpu.memory_space<vmem_shared>>) target_semaphore(%arg26 : memref<!tpu.dma_semaphore, #tpu.memory_space<semaphore_mem>>)
    %dma_wait3A = arith.constant 0 : i32
    %dma_wait3A_252 = arith.constant 0 : i32
    %dma_wait3A_253 = tpu.memref_slice %arg5[%dma_wait3A, %dma_wait3A_252] : memref<4x80xi32, #tpu.memory_space<vmem>> -> memref<1x80xi32, #tpu.memory_space<vmem>>
    %dma_wait3A_254 = tpu.memref_squeeze %dma_wait3A_253 : memref<1x80xi32, #tpu.memory_space<vmem>> -> memref<80xi32, #tpu.memory_space<vmem>>
    %dma_wait3A_255 = arith.constant 0 : i32
    %dma_wait3A_256 = tpu.memref_slice %arg3[%dma_wait3A_255] : memref<640000xi32, #tpu.memory_space<hbm>> -> memref<80xi32, #tpu.memory_space<hbm>>
    %dma_wait3A_257 = arith.constant 0 : i32
    %dma_wait3A_258 = tpu.memref_slice %arg5[%dma_wait3A, %dma_wait3A_257] : memref<4x80xi32, #tpu.memory_space<vmem>> -> memref<1x80xi32, #tpu.memory_space<vmem>>
    %dma_wait3A_259 = tpu.memref_squeeze %dma_wait3A_258 : memref<1x80xi32, #tpu.memory_space<vmem>> -> memref<80xi32, #tpu.memory_space<vmem>>
    %dma_wait3A_260 = arith.constant 0 : i32
    %dma_wait3A_261 = tpu.memref_slice %arg3[%dma_wait3A_260] : memref<640000xi32, #tpu.memory_space<hbm>> -> memref<80xi32, #tpu.memory_space<hbm>>
    tpu.wait_dma2 semaphore(%arg18 : memref<!tpu.dma_semaphore, #tpu.memory_space<semaphore_mem>>) src(%dma_wait3A_261 : memref<80xi32, #tpu.memory_space<hbm>>) dst(%dma_wait3A_259 : memref<80xi32, #tpu.memory_space<vmem>>)
    %dma_start3A_262 = arith.constant 0 : i32
    %dma_start3A_263 = arith.constant 0 : i32
    %dma_start3A_264 = arith.constant 0 : i32
    %dma_start3A_265 = arith.constant 0 : i32
    %dma_start3A_266 = tpu.memref_slice %arg7[%dma_start3A_263, %dma_start3A_264, %dma_start3A_265] : memref<4x80x128xf32, #tpu.memory_space<vmem>> -> memref<1x80x128xf32, #tpu.memory_space<vmem>>
    %dma_start3A_267 = tpu.memref_squeeze %dma_start3A_266 : memref<1x80x128xf32, #tpu.memory_space<vmem>> -> memref<80x128xf32, #tpu.memory_space<vmem>>
    %dma_start3A_268 = arith.constant 0 : i32
    %dma_start3A_269 = tpu.memref_slice %arg5[%dma_start3A_262, %dma_start3A_268] : memref<4x80xi32, #tpu.memory_space<vmem>> -> memref<1x80xi32, #tpu.memory_space<vmem>>
    %dma_start3A_270 = tpu.memref_squeeze %dma_start3A_269 : memref<1x80xi32, #tpu.memory_space<vmem>> -> memref<80xi32, #tpu.memory_space<vmem>>
    %dma_start3A_271 = arith.constant 0 : i32
    %dma_start3A_272 = arith.constant 0 : i32
    %dma_start3A_273 = tpu.memref_slice %arg2[%dma_start3A_271, %dma_start3A_272] : memref<10000x128xf32, #tpu.memory_space<hbm>> -> memref<10000x128xf32, #tpu.memory_space<hbm>>
    tpu.enqueue_indirect_dma source(%dma_start3A_273 : memref<10000x128xf32, #tpu.memory_space<hbm>>) target(%dma_start3A_267 : memref<80x128xf32, #tpu.memory_space<vmem>>) offsets(%dma_start3A_270 : memref<80xi32, #tpu.memory_space<vmem>>) semaphore(%arg10 : memref<!tpu.dma_semaphore, #tpu.memory_space<semaphore_mem>>)
    %dma_wait3A_274 = arith.constant 1 : i32
    %dma_wait3A_275 = arith.constant 0 : i32
    %dma_wait3A_276 = tpu.memref_slice %arg5[%dma_wait3A_274, %dma_wait3A_275] : memref<4x80xi32, #tpu.memory_space<vmem>> -> memref<1x80xi32, #tpu.memory_space<vmem>>
    %dma_wait3A_277 = tpu.memref_squeeze %dma_wait3A_276 : memref<1x80xi32, #tpu.memory_space<vmem>> -> memref<80xi32, #tpu.memory_space<vmem>>
    %dma_wait3A_278 = arith.constant 0 : i32
    %dma_wait3A_279 = tpu.memref_slice %arg3[%dma_wait3A_278] : memref<640000xi32, #tpu.memory_space<hbm>> -> memref<80xi32, #tpu.memory_space<hbm>>
    %dma_wait3A_280 = arith.constant 0 : i32
    %dma_wait3A_281 = tpu.memref_slice %arg5[%dma_wait3A_274, %dma_wait3A_280] : memref<4x80xi32, #tpu.memory_space<vmem>> -> memref<1x80xi32, #tpu.memory_space<vmem>>
    %dma_wait3A_282 = tpu.memref_squeeze %dma_wait3A_281 : memref<1x80xi32, #tpu.memory_space<vmem>> -> memref<80xi32, #tpu.memory_space<vmem>>
    %dma_wait3A_283 = arith.constant 0 : i32
    %dma_wait3A_284 = tpu.memref_slice %arg3[%dma_wait3A_283] : memref<640000xi32, #tpu.memory_space<hbm>> -> memref<80xi32, #tpu.memory_space<hbm>>
    tpu.wait_dma2 semaphore(%arg19 : memref<!tpu.dma_semaphore, #tpu.memory_space<semaphore_mem>>) src(%dma_wait3A_284 : memref<80xi32, #tpu.memory_space<hbm>>) dst(%dma_wait3A_282 : memref<80xi32, #tpu.memory_space<vmem>>)
    %dma_start3A_285 = arith.constant 1 : i32
    %dma_start3A_286 = arith.constant 1 : i32
    %dma_start3A_287 = arith.constant 0 : i32
    %dma_start3A_288 = arith.constant 0 : i32
    %dma_start3A_289 = tpu.memref_slice %arg7[%dma_start3A_286, %dma_start3A_287, %dma_start3A_288] : memref<4x80x128xf32, #tpu.memory_space<vmem>> -> memref<1x80x128xf32, #tpu.memory_space<vmem>>
    %dma_start3A_290 = tpu.memref_squeeze %dma_start3A_289 : memref<1x80x128xf32, #tpu.memory_space<vmem>> -> memref<80x128xf32, #tpu.memory_space<vmem>>
    %dma_start3A_291 = arith.constant 0 : i32
    %dma_start3A_292 = tpu.memref_slice %arg5[%dma_start3A_285, %dma_start3A_291] : memref<4x80xi32, #tpu.memory_space<vmem>> -> memref<1x80xi32, #tpu.memory_space<vmem>>
    %dma_start3A_293 = tpu.memref_squeeze %dma_start3A_292 : memref<1x80xi32, #tpu.memory_space<vmem>> -> memref<80xi32, #tpu.memory_space<vmem>>
    %dma_start3A_294 = arith.constant 0 : i32
    %dma_start3A_295 = arith.constant 0 : i32
    %dma_start3A_296 = tpu.memref_slice %arg2[%dma_start3A_294, %dma_start3A_295] : memref<10000x128xf32, #tpu.memory_space<hbm>> -> memref<10000x128xf32, #tpu.memory_space<hbm>>
    tpu.enqueue_indirect_dma source(%dma_start3A_296 : memref<10000x128xf32, #tpu.memory_space<hbm>>) target(%dma_start3A_290 : memref<80x128xf32, #tpu.memory_space<vmem>>) offsets(%dma_start3A_293 : memref<80xi32, #tpu.memory_space<vmem>>) semaphore(%arg11 : memref<!tpu.dma_semaphore, #tpu.memory_space<semaphore_mem>>)
    %dma_wait3A_297 = arith.constant 2 : i32
    %dma_wait3A_298 = arith.constant 0 : i32
    %dma_wait3A_299 = tpu.memref_slice %arg5[%dma_wait3A_297, %dma_wait3A_298] : memref<4x80xi32, #tpu.memory_space<vmem>> -> memref<1x80xi32, #tpu.memory_space<vmem>>
    %dma_wait3A_300 = tpu.memref_squeeze %dma_wait3A_299 : memref<1x80xi32, #tpu.memory_space<vmem>> -> memref<80xi32, #tpu.memory_space<vmem>>
    %dma_wait3A_301 = arith.constant 0 : i32
    %dma_wait3A_302 = tpu.memref_slice %arg3[%dma_wait3A_301] : memref<640000xi32, #tpu.memory_space<hbm>> -> memref<80xi32, #tpu.memory_space<hbm>>
    %dma_wait3A_303 = arith.constant 0 : i32
    %dma_wait3A_304 = tpu.memref_slice %arg5[%dma_wait3A_297, %dma_wait3A_303] : memref<4x80xi32, #tpu.memory_space<vmem>> -> memref<1x80xi32, #tpu.memory_space<vmem>>
    %dma_wait3A_305 = tpu.memref_squeeze %dma_wait3A_304 : memref<1x80xi32, #tpu.memory_space<vmem>> -> memref<80xi32, #tpu.memory_space<vmem>>
    %dma_wait3A_306 = arith.constant 0 : i32
    %dma_wait3A_307 = tpu.memref_slice %arg3[%dma_wait3A_306] : memref<640000xi32, #tpu.memory_space<hbm>> -> memref<80xi32, #tpu.memory_space<hbm>>
    tpu.wait_dma2 semaphore(%arg20 : memref<!tpu.dma_semaphore, #tpu.memory_space<semaphore_mem>>) src(%dma_wait3A_307 : memref<80xi32, #tpu.memory_space<hbm>>) dst(%dma_wait3A_305 : memref<80xi32, #tpu.memory_space<vmem>>)
    %dma_start3A_308 = arith.constant 2 : i32
    %dma_start3A_309 = arith.constant 2 : i32
    %dma_start3A_310 = arith.constant 0 : i32
    %dma_start3A_311 = arith.constant 0 : i32
    %dma_start3A_312 = tpu.memref_slice %arg7[%dma_start3A_309, %dma_start3A_310, %dma_start3A_311] : memref<4x80x128xf32, #tpu.memory_space<vmem>> -> memref<1x80x128xf32, #tpu.memory_space<vmem>>
    %dma_start3A_313 = tpu.memref_squeeze %dma_start3A_312 : memref<1x80x128xf32, #tpu.memory_space<vmem>> -> memref<80x128xf32, #tpu.memory_space<vmem>>
    %dma_start3A_314 = arith.constant 0 : i32
    %dma_start3A_315 = tpu.memref_slice %arg5[%dma_start3A_308, %dma_start3A_314] : memref<4x80xi32, #tpu.memory_space<vmem>> -> memref<1x80xi32, #tpu.memory_space<vmem>>
    %dma_start3A_316 = tpu.memref_squeeze %dma_start3A_315 : memref<1x80xi32, #tpu.memory_space<vmem>> -> memref<80xi32, #tpu.memory_space<vmem>>
    %dma_start3A_317 = arith.constant 0 : i32
    %dma_start3A_318 = arith.constant 0 : i32
    %dma_start3A_319 = tpu.memref_slice %arg2[%dma_start3A_317, %dma_start3A_318] : memref<10000x128xf32, #tpu.memory_space<hbm>> -> memref<10000x128xf32, #tpu.memory_space<hbm>>
    tpu.enqueue_indirect_dma source(%dma_start3A_319 : memref<10000x128xf32, #tpu.memory_space<hbm>>) target(%dma_start3A_313 : memref<80x128xf32, #tpu.memory_space<vmem>>) offsets(%dma_start3A_316 : memref<80xi32, #tpu.memory_space<vmem>>) semaphore(%arg12 : memref<!tpu.dma_semaphore, #tpu.memory_space<semaphore_mem>>)
    %dma_wait3A_320 = arith.constant 3 : i32
    %dma_wait3A_321 = arith.constant 0 : i32
    %dma_wait3A_322 = tpu.memref_slice %arg5[%dma_wait3A_320, %dma_wait3A_321] : memref<4x80xi32, #tpu.memory_space<vmem>> -> memref<1x80xi32, #tpu.memory_space<vmem>>
    %dma_wait3A_323 = tpu.memref_squeeze %dma_wait3A_322 : memref<1x80xi32, #tpu.memory_space<vmem>> -> memref<80xi32, #tpu.memory_space<vmem>>
    %dma_wait3A_324 = arith.constant 0 : i32
    %dma_wait3A_325 = tpu.memref_slice %arg3[%dma_wait3A_324] : memref<640000xi32, #tpu.memory_space<hbm>> -> memref<80xi32, #tpu.memory_space<hbm>>
    %dma_wait3A_326 = arith.constant 0 : i32
    %dma_wait3A_327 = tpu.memref_slice %arg5[%dma_wait3A_320, %dma_wait3A_326] : memref<4x80xi32, #tpu.memory_space<vmem>> -> memref<1x80xi32, #tpu.memory_space<vmem>>
    %dma_wait3A_328 = tpu.memref_squeeze %dma_wait3A_327 : memref<1x80xi32, #tpu.memory_space<vmem>> -> memref<80xi32, #tpu.memory_space<vmem>>
    %dma_wait3A_329 = arith.constant 0 : i32
    %dma_wait3A_330 = tpu.memref_slice %arg3[%dma_wait3A_329] : memref<640000xi32, #tpu.memory_space<hbm>> -> memref<80xi32, #tpu.memory_space<hbm>>
    tpu.wait_dma2 semaphore(%arg21 : memref<!tpu.dma_semaphore, #tpu.memory_space<semaphore_mem>>) src(%dma_wait3A_330 : memref<80xi32, #tpu.memory_space<hbm>>) dst(%dma_wait3A_328 : memref<80xi32, #tpu.memory_space<vmem>>)
    %dma_start3A_331 = arith.constant 3 : i32
    %dma_start3A_332 = arith.constant 3 : i32
    %dma_start3A_333 = arith.constant 0 : i32
    %dma_start3A_334 = arith.constant 0 : i32
    %dma_start3A_335 = tpu.memref_slice %arg7[%dma_start3A_332, %dma_start3A_333, %dma_start3A_334] : memref<4x80x128xf32, #tpu.memory_space<vmem>> -> memref<1x80x128xf32, #tpu.memory_space<vmem>>
    %dma_start3A_336 = tpu.memref_squeeze %dma_start3A_335 : memref<1x80x128xf32, #tpu.memory_space<vmem>> -> memref<80x128xf32, #tpu.memory_space<vmem>>
    %dma_start3A_337 = arith.constant 0 : i32
    %dma_start3A_338 = tpu.memref_slice %arg5[%dma_start3A_331, %dma_start3A_337] : memref<4x80xi32, #tpu.memory_space<vmem>> -> memref<1x80xi32, #tpu.memory_space<vmem>>
    %dma_start3A_339 = tpu.memref_squeeze %dma_start3A_338 : memref<1x80xi32, #tpu.memory_space<vmem>> -> memref<80xi32, #tpu.memory_space<vmem>>
    %dma_start3A_340 = arith.constant 0 : i32
    %dma_start3A_341 = arith.constant 0 : i32
    %dma_start3A_342 = tpu.memref_slice %arg2[%dma_start3A_340, %dma_start3A_341] : memref<10000x128xf32, #tpu.memory_space<hbm>> -> memref<10000x128xf32, #tpu.memory_space<hbm>>
    tpu.enqueue_indirect_dma source(%dma_start3A_342 : memref<10000x128xf32, #tpu.memory_space<hbm>>) target(%dma_start3A_336 : memref<80x128xf32, #tpu.memory_space<vmem>>) offsets(%dma_start3A_339 : memref<80xi32, #tpu.memory_space<vmem>>) semaphore(%arg13 : memref<!tpu.dma_semaphore, #tpu.memory_space<semaphore_mem>>)
    %dma_wait3A_343 = arith.constant 0 : i32
    %dma_wait3A_344 = arith.constant 0 : i32
    %dma_wait3A_345 = tpu.memref_slice %arg2[%dma_wait3A_343, %dma_wait3A_344] : memref<10000x128xf32, #tpu.memory_space<hbm>> -> memref<32x128xf32, #tpu.memory_space<hbm>>
    %dma_wait3A_346 = arith.constant 0 : i32
    %dma_wait3A_347 = arith.constant 0 : i32
    %dma_wait3A_348 = tpu.memref_slice %arg2[%dma_wait3A_346, %dma_wait3A_347] : memref<10000x128xf32, #tpu.memory_space<hbm>> -> memref<32x128xf32, #tpu.memory_space<hbm>>
    tpu.wait_dma2 semaphore(%arg26 : memref<!tpu.dma_semaphore, #tpu.memory_space<semaphore_mem>>) src(%dma_wait3A_348 : memref<32x128xf32, #tpu.memory_space<hbm>>) dst(%arg8 : memref<32x128xf32, #tpu.memory_space<vmem>>)
    %dma_wait3A_349 = arith.constant 0 : i32
    %dma_wait3A_350 = arith.constant 0 : i32
    %dma_wait3A_351 = tpu.memref_slice %arg2[%dma_wait3A_349, %dma_wait3A_350] : memref<10000x128xf32, #tpu.memory_space<hbm>> -> memref<32x128xf32, #tpu.memory_space<hbm>>
    %dma_wait3A_352 = arith.constant 0 : i32
    %dma_wait3A_353 = arith.constant 0 : i32
    %dma_wait3A_354 = tpu.memref_slice %arg2[%dma_wait3A_352, %dma_wait3A_353] : memref<10000x128xf32, #tpu.memory_space<hbm>> -> memref<32x128xf32, #tpu.memory_space<hbm>>
    tpu.wait_dma2 semaphore(%arg26 : memref<!tpu.dma_semaphore, #tpu.memory_space<semaphore_mem>>) src(%dma_wait3A_354 : memref<32x128xf32, #tpu.memory_space<hbm>>) dst(%arg8 : memref<32x128xf32, #tpu.memory_space<vmem>>)
    %dma_wait3A_355 = arith.constant 0 : i32
    %dma_wait3A_356 = arith.constant 0 : i32
    %dma_wait3A_357 = tpu.memref_slice %arg2[%dma_wait3A_355, %dma_wait3A_356] : memref<10000x128xf32, #tpu.memory_space<hbm>> -> memref<32x128xf32, #tpu.memory_space<hbm>>
    %dma_wait3A_358 = arith.constant 0 : i32
    %dma_wait3A_359 = arith.constant 0 : i32
    %dma_wait3A_360 = tpu.memref_slice %arg2[%dma_wait3A_358, %dma_wait3A_359] : memref<10000x128xf32, #tpu.memory_space<hbm>> -> memref<32x128xf32, #tpu.memory_space<hbm>>
    tpu.wait_dma2 semaphore(%arg26 : memref<!tpu.dma_semaphore, #tpu.memory_space<semaphore_mem>>) src(%dma_wait3A_360 : memref<32x128xf32, #tpu.memory_space<hbm>>) dst(%arg8 : memref<32x128xf32, #tpu.memory_space<vmem>>)
    %dma_wait3A_361 = arith.constant 0 : i32
    %dma_wait3A_362 = arith.constant 0 : i32
    %dma_wait3A_363 = tpu.memref_slice %arg2[%dma_wait3A_361, %dma_wait3A_362] : memref<10000x128xf32, #tpu.memory_space<hbm>> -> memref<32x128xf32, #tpu.memory_space<hbm>>
    %dma_wait3A_364 = arith.constant 0 : i32
    %dma_wait3A_365 = arith.constant 0 : i32
    %dma_wait3A_366 = tpu.memref_slice %arg2[%dma_wait3A_364, %dma_wait3A_365] : memref<10000x128xf32, #tpu.memory_space<hbm>> -> memref<32x128xf32, #tpu.memory_space<hbm>>
    tpu.wait_dma2 semaphore(%arg26 : memref<!tpu.dma_semaphore, #tpu.memory_space<semaphore_mem>>) src(%dma_wait3A_366 : memref<32x128xf32, #tpu.memory_space<hbm>>) dst(%arg8 : memref<32x128xf32, #tpu.memory_space<vmem>>)
    %dma_wait3A_367 = arith.constant 0 : i32
    %dma_wait3A_368 = arith.constant 0 : i32
    %dma_wait3A_369 = tpu.memref_slice %arg2[%dma_wait3A_367, %dma_wait3A_368] : memref<10000x128xf32, #tpu.memory_space<hbm>> -> memref<32x128xf32, #tpu.memory_space<hbm>>
    %dma_wait3A_370 = arith.constant 0 : i32
    %dma_wait3A_371 = arith.constant 0 : i32
    %dma_wait3A_372 = tpu.memref_slice %arg2[%dma_wait3A_370, %dma_wait3A_371] : memref<10000x128xf32, #tpu.memory_space<hbm>> -> memref<32x128xf32, #tpu.memory_space<hbm>>
    tpu.wait_dma2 semaphore(%arg26 : memref<!tpu.dma_semaphore, #tpu.memory_space<semaphore_mem>>) src(%dma_wait3A_372 : memref<32x128xf32, #tpu.memory_space<hbm>>) dst(%arg8 : memref<32x128xf32, #tpu.memory_space<vmem>>)
    %dma_wait3A_373 = arith.constant 0 : i32
    %dma_wait3A_374 = arith.constant 0 : i32
    %dma_wait3A_375 = tpu.memref_slice %arg2[%dma_wait3A_373, %dma_wait3A_374] : memref<10000x128xf32, #tpu.memory_space<hbm>> -> memref<32x128xf32, #tpu.memory_space<hbm>>
    %dma_wait3A_376 = arith.constant 0 : i32
    %dma_wait3A_377 = arith.constant 0 : i32
    %dma_wait3A_378 = tpu.memref_slice %arg2[%dma_wait3A_376, %dma_wait3A_377] : memref<10000x128xf32, #tpu.memory_space<hbm>> -> memref<32x128xf32, #tpu.memory_space<hbm>>
    tpu.wait_dma2 semaphore(%arg26 : memref<!tpu.dma_semaphore, #tpu.memory_space<semaphore_mem>>) src(%dma_wait3A_378 : memref<32x128xf32, #tpu.memory_space<hbm>>) dst(%arg8 : memref<32x128xf32, #tpu.memory_space<vmem>>)
    %dma_wait3A_379 = arith.constant 0 : i32
    %dma_wait3A_380 = arith.constant 0 : i32
    %dma_wait3A_381 = tpu.memref_slice %arg2[%dma_wait3A_379, %dma_wait3A_380] : memref<10000x128xf32, #tpu.memory_space<hbm>> -> memref<32x128xf32, #tpu.memory_space<hbm>>
    %dma_wait3A_382 = arith.constant 0 : i32
    %dma_wait3A_383 = arith.constant 0 : i32
    %dma_wait3A_384 = tpu.memref_slice %arg2[%dma_wait3A_382, %dma_wait3A_383] : memref<10000x128xf32, #tpu.memory_space<hbm>> -> memref<32x128xf32, #tpu.memory_space<hbm>>
    tpu.wait_dma2 semaphore(%arg26 : memref<!tpu.dma_semaphore, #tpu.memory_space<semaphore_mem>>) src(%dma_wait3A_384 : memref<32x128xf32, #tpu.memory_space<hbm>>) dst(%arg8 : memref<32x128xf32, #tpu.memory_space<vmem>>)
    %dma_wait3A_385 = arith.constant 0 : i32
    %dma_wait3A_386 = arith.constant 0 : i32
    %dma_wait3A_387 = tpu.memref_slice %arg2[%dma_wait3A_385, %dma_wait3A_386] : memref<10000x128xf32, #tpu.memory_space<hbm>> -> memref<32x128xf32, #tpu.memory_space<hbm>>
    %dma_wait3A_388 = arith.constant 0 : i32
    %dma_wait3A_389 = arith.constant 0 : i32
    %dma_wait3A_390 = tpu.memref_slice %arg2[%dma_wait3A_388, %dma_wait3A_389] : memref<10000x128xf32, #tpu.memory_space<hbm>> -> memref<32x128xf32, #tpu.memory_space<hbm>>
    tpu.wait_dma2 semaphore(%arg26 : memref<!tpu.dma_semaphore, #tpu.memory_space<semaphore_mem>>) src(%dma_wait3A_390 : memref<32x128xf32, #tpu.memory_space<hbm>>) dst(%arg8 : memref<32x128xf32, #tpu.memory_space<vmem>>)
    %dma_wait3A_391 = arith.constant 0 : i32
    %dma_wait3A_392 = arith.constant 0 : i32
    %dma_wait3A_393 = tpu.memref_slice %arg2[%dma_wait3A_391, %dma_wait3A_392] : memref<10000x128xf32, #tpu.memory_space<hbm>> -> memref<32x128xf32, #tpu.memory_space<hbm>>
    %dma_wait3A_394 = arith.constant 0 : i32
    %dma_wait3A_395 = arith.constant 0 : i32
    %dma_wait3A_396 = tpu.memref_slice %arg2[%dma_wait3A_394, %dma_wait3A_395] : memref<10000x128xf32, #tpu.memory_space<hbm>> -> memref<32x128xf32, #tpu.memory_space<hbm>>
    tpu.wait_dma2 semaphore(%arg26 : memref<!tpu.dma_semaphore, #tpu.memory_space<semaphore_mem>>) src(%dma_wait3A_396 : memref<32x128xf32, #tpu.memory_space<hbm>>) dst(%arg8 : memref<32x128xf32, #tpu.memory_space<vmem>>)
    %dma_wait3A_397 = arith.constant 0 : i32
    %dma_wait3A_398 = arith.constant 0 : i32
    %dma_wait3A_399 = tpu.memref_slice %arg2[%dma_wait3A_397, %dma_wait3A_398] : memref<10000x128xf32, #tpu.memory_space<hbm>> -> memref<32x128xf32, #tpu.memory_space<hbm>>
    %dma_wait3A_400 = arith.constant 0 : i32
    %dma_wait3A_401 = arith.constant 0 : i32
    %dma_wait3A_402 = tpu.memref_slice %arg2[%dma_wait3A_400, %dma_wait3A_401] : memref<10000x128xf32, #tpu.memory_space<hbm>> -> memref<32x128xf32, #tpu.memory_space<hbm>>
    tpu.wait_dma2 semaphore(%arg26 : memref<!tpu.dma_semaphore, #tpu.memory_space<semaphore_mem>>) src(%dma_wait3A_402 : memref<32x128xf32, #tpu.memory_space<hbm>>) dst(%arg8 : memref<32x128xf32, #tpu.memory_space<vmem>>)
    %dma_wait3A_403 = arith.constant 0 : i32
    %dma_wait3A_404 = arith.constant 0 : i32
    %dma_wait3A_405 = tpu.memref_slice %arg2[%dma_wait3A_403, %dma_wait3A_404] : memref<10000x128xf32, #tpu.memory_space<hbm>> -> memref<32x128xf32, #tpu.memory_space<hbm>>
    %dma_wait3A_406 = arith.constant 0 : i32
    %dma_wait3A_407 = arith.constant 0 : i32
    %dma_wait3A_408 = tpu.memref_slice %arg2[%dma_wait3A_406, %dma_wait3A_407] : memref<10000x128xf32, #tpu.memory_space<hbm>> -> memref<32x128xf32, #tpu.memory_space<hbm>>
    tpu.wait_dma2 semaphore(%arg26 : memref<!tpu.dma_semaphore, #tpu.memory_space<semaphore_mem>>) src(%dma_wait3A_408 : memref<32x128xf32, #tpu.memory_space<hbm>>) dst(%arg8 : memref<32x128xf32, #tpu.memory_space<vmem>>)
    %dma_wait3A_409 = arith.constant 0 : i32
    %dma_wait3A_410 = arith.constant 0 : i32
    %dma_wait3A_411 = tpu.memref_slice %arg2[%dma_wait3A_409, %dma_wait3A_410] : memref<10000x128xf32, #tpu.memory_space<hbm>> -> memref<32x128xf32, #tpu.memory_space<hbm>>
    %dma_wait3A_412 = arith.constant 0 : i32
    %dma_wait3A_413 = arith.constant 0 : i32
    %dma_wait3A_414 = tpu.memref_slice %arg2[%dma_wait3A_412, %dma_wait3A_413] : memref<10000x128xf32, #tpu.memory_space<hbm>> -> memref<32x128xf32, #tpu.memory_space<hbm>>
    tpu.wait_dma2 semaphore(%arg26 : memref<!tpu.dma_semaphore, #tpu.memory_space<semaphore_mem>>) src(%dma_wait3A_414 : memref<32x128xf32, #tpu.memory_space<hbm>>) dst(%arg8 : memref<32x128xf32, #tpu.memory_space<vmem>>)
    %dma_wait3A_415 = arith.constant 0 : i32
    %dma_wait3A_416 = arith.constant 0 : i32
    %dma_wait3A_417 = tpu.memref_slice %arg2[%dma_wait3A_415, %dma_wait3A_416] : memref<10000x128xf32, #tpu.memory_space<hbm>> -> memref<32x128xf32, #tpu.memory_space<hbm>>
    %dma_wait3A_418 = arith.constant 0 : i32
    %dma_wait3A_419 = arith.constant 0 : i32
    %dma_wait3A_420 = tpu.memref_slice %arg2[%dma_wait3A_418, %dma_wait3A_419] : memref<10000x128xf32, #tpu.memory_space<hbm>> -> memref<32x128xf32, #tpu.memory_space<hbm>>
    tpu.wait_dma2 semaphore(%arg26 : memref<!tpu.dma_semaphore, #tpu.memory_space<semaphore_mem>>) src(%dma_wait3A_420 : memref<32x128xf32, #tpu.memory_space<hbm>>) dst(%arg8 : memref<32x128xf32, #tpu.memory_space<vmem>>)
    %dma_wait3A_421 = arith.constant 0 : i32
    %dma_wait3A_422 = arith.constant 0 : i32
    %dma_wait3A_423 = tpu.memref_slice %arg2[%dma_wait3A_421, %dma_wait3A_422] : memref<10000x128xf32, #tpu.memory_space<hbm>> -> memref<32x128xf32, #tpu.memory_space<hbm>>
    %dma_wait3A_424 = arith.constant 0 : i32
    %dma_wait3A_425 = arith.constant 0 : i32
    %dma_wait3A_426 = tpu.memref_slice %arg2[%dma_wait3A_424, %dma_wait3A_425] : memref<10000x128xf32, #tpu.memory_space<hbm>> -> memref<32x128xf32, #tpu.memory_space<hbm>>
    tpu.wait_dma2 semaphore(%arg26 : memref<!tpu.dma_semaphore, #tpu.memory_space<semaphore_mem>>) src(%dma_wait3A_426 : memref<32x128xf32, #tpu.memory_space<hbm>>) dst(%arg8 : memref<32x128xf32, #tpu.memory_space<vmem>>)
    %dma_wait3A_427 = arith.constant 0 : i32
    %dma_wait3A_428 = arith.constant 0 : i32
    %dma_wait3A_429 = tpu.memref_slice %arg2[%dma_wait3A_427, %dma_wait3A_428] : memref<10000x128xf32, #tpu.memory_space<hbm>> -> memref<32x128xf32, #tpu.memory_space<hbm>>
    %dma_wait3A_430 = arith.constant 0 : i32
    %dma_wait3A_431 = arith.constant 0 : i32
    %dma_wait3A_432 = tpu.memref_slice %arg2[%dma_wait3A_430, %dma_wait3A_431] : memref<10000x128xf32, #tpu.memory_space<hbm>> -> memref<32x128xf32, #tpu.memory_space<hbm>>
    tpu.wait_dma2 semaphore(%arg26 : memref<!tpu.dma_semaphore, #tpu.memory_space<semaphore_mem>>) src(%dma_wait3A_432 : memref<32x128xf32, #tpu.memory_space<hbm>>) dst(%arg8 : memref<32x128xf32, #tpu.memory_space<vmem>>)
    %dma_wait3A_433 = arith.constant 0 : i32
    %dma_wait3A_434 = arith.constant 0 : i32
    %dma_wait3A_435 = tpu.memref_slice %arg2[%dma_wait3A_433, %dma_wait3A_434] : memref<10000x128xf32, #tpu.memory_space<hbm>> -> memref<32x128xf32, #tpu.memory_space<hbm>>
    %dma_wait3A_436 = arith.constant 0 : i32
    %dma_wait3A_437 = arith.constant 0 : i32
    %dma_wait3A_438 = tpu.memref_slice %arg2[%dma_wait3A_436, %dma_wait3A_437] : memref<10000x128xf32, #tpu.memory_space<hbm>> -> memref<32x128xf32, #tpu.memory_space<hbm>>
    tpu.wait_dma2 semaphore(%arg26 : memref<!tpu.dma_semaphore, #tpu.memory_space<semaphore_mem>>) src(%dma_wait3A_438 : memref<32x128xf32, #tpu.memory_space<hbm>>) dst(%arg8 : memref<32x128xf32, #tpu.memory_space<vmem>>)
    %dma_wait3A_439 = arith.constant 0 : i32
    %dma_wait3A_440 = arith.constant 0 : i32
    %dma_wait3A_441 = tpu.memref_slice %arg2[%dma_wait3A_439, %dma_wait3A_440] : memref<10000x128xf32, #tpu.memory_space<hbm>> -> memref<32x128xf32, #tpu.memory_space<hbm>>
    %dma_wait3A_442 = arith.constant 0 : i32
    %dma_wait3A_443 = arith.constant 0 : i32
    %dma_wait3A_444 = tpu.memref_slice %arg2[%dma_wait3A_442, %dma_wait3A_443] : memref<10000x128xf32, #tpu.memory_space<hbm>> -> memref<32x128xf32, #tpu.memory_space<hbm>>
    tpu.wait_dma2 semaphore(%arg26 : memref<!tpu.dma_semaphore, #tpu.memory_space<semaphore_mem>>) src(%dma_wait3A_444 : memref<32x128xf32, #tpu.memory_space<hbm>>) dst(%arg8 : memref<32x128xf32, #tpu.memory_space<vmem>>)
    %dma_wait3A_445 = arith.constant 0 : i32
    %dma_wait3A_446 = arith.constant 0 : i32
    %dma_wait3A_447 = tpu.memref_slice %arg2[%dma_wait3A_445, %dma_wait3A_446] : memref<10000x128xf32, #tpu.memory_space<hbm>> -> memref<32x128xf32, #tpu.memory_space<hbm>>
    %dma_wait3A_448 = arith.constant 0 : i32
    %dma_wait3A_449 = arith.constant 0 : i32
    %dma_wait3A_450 = tpu.memref_slice %arg2[%dma_wait3A_448, %dma_wait3A_449] : memref<10000x128xf32, #tpu.memory_space<hbm>> -> memref<32x128xf32, #tpu.memory_space<hbm>>
    tpu.wait_dma2 semaphore(%arg26 : memref<!tpu.dma_semaphore, #tpu.memory_space<semaphore_mem>>) src(%dma_wait3A_450 : memref<32x128xf32, #tpu.memory_space<hbm>>) dst(%arg8 : memref<32x128xf32, #tpu.memory_space<vmem>>)
    %dma_wait3A_451 = arith.constant 0 : i32
    %dma_wait3A_452 = arith.constant 0 : i32
    %dma_wait3A_453 = tpu.memref_slice %arg2[%dma_wait3A_451, %dma_wait3A_452] : memref<10000x128xf32, #tpu.memory_space<hbm>> -> memref<32x128xf32, #tpu.memory_space<hbm>>
    %dma_wait3A_454 = arith.constant 0 : i32
    %dma_wait3A_455 = arith.constant 0 : i32
    %dma_wait3A_456 = tpu.memref_slice %arg2[%dma_wait3A_454, %dma_wait3A_455] : memref<10000x128xf32, #tpu.memory_space<hbm>> -> memref<32x128xf32, #tpu.memory_space<hbm>>
    tpu.wait_dma2 semaphore(%arg26 : memref<!tpu.dma_semaphore, #tpu.memory_space<semaphore_mem>>) src(%dma_wait3A_456 : memref<32x128xf32, #tpu.memory_space<hbm>>) dst(%arg8 : memref<32x128xf32, #tpu.memory_space<vmem>>)
    %dma_wait3A_457 = arith.constant 0 : i32
    %dma_wait3A_458 = arith.constant 0 : i32
    %dma_wait3A_459 = tpu.memref_slice %arg8[%dma_wait3A_457, %dma_wait3A_458] : memref<32x128xf32, #tpu.memory_space<vmem>> -> memref<24x128xf32, #tpu.memory_space<vmem>>
    %dma_wait3A_460 = arith.constant 0 : i32
    %dma_wait3A_461 = arith.constant 0 : i32
    %dma_wait3A_462 = tpu.memref_slice %arg2[%dma_wait3A_460, %dma_wait3A_461] : memref<10000x128xf32, #tpu.memory_space<hbm>> -> memref<24x128xf32, #tpu.memory_space<hbm>>
    %dma_wait3A_463 = arith.constant 0 : i32
    %dma_wait3A_464 = arith.constant 0 : i32
    %dma_wait3A_465 = tpu.memref_slice %arg8[%dma_wait3A_463, %dma_wait3A_464] : memref<32x128xf32, #tpu.memory_space<vmem>> -> memref<24x128xf32, #tpu.memory_space<vmem>>
    %dma_wait3A_466 = arith.constant 0 : i32
    %dma_wait3A_467 = arith.constant 0 : i32
    %dma_wait3A_468 = tpu.memref_slice %arg2[%dma_wait3A_466, %dma_wait3A_467] : memref<10000x128xf32, #tpu.memory_space<hbm>> -> memref<24x128xf32, #tpu.memory_space<hbm>>
    tpu.wait_dma2 semaphore(%arg26 : memref<!tpu.dma_semaphore, #tpu.memory_space<semaphore_mem>>) src(%dma_wait3A_468 : memref<24x128xf32, #tpu.memory_space<hbm>>) dst(%dma_wait3A_465 : memref<24x128xf32, #tpu.memory_space<vmem>>)
    %barrier3A = arith.constant 0 : index
    tpu.barrier barrier_id(%barrier3A)
    %scan3A_469 = arith.constant 0 : i32
    %scan3A_470 = arith.constant 32 : i32
    %scan3A_471 = arith.addi %scan3A_469, %scan3A_470 : i32
    %scan3A_472 = arith.constant 1 : i32
    scf.for %scan3A_543 = %scan3A_469 to %scan3A_471 step %scan3A_472  : i32 {
      %mul3A_544 = arith.constant 4 : i32
      %mul3A_545 = arith.muli %scan3A_543, %mul3A_544 : i32
      %add3A_546 = arith.constant 0 : i32
      %add3A_547 = arith.addi %add3A_546, %mul3A_545 : i32
      %add3A_548 = arith.constant 0 : i32
      %add3A_549 = arith.addi %add3A_547, %add3A_548 : i32
      %lt3A_550 = arith.cmpi slt, %add3A_549, %add3A_5 : i32
      %convert_element_type3A_551 = arith.extui %lt3A_550 : i1 to i32
      %cond3A_552 = arith.constant 0 : i32
      %cond3A_553 = arith.cmpi ne, %convert_element_type3A_551, %cond3A_552 : i32
      scf.if %cond3A_553 {
        %dma_wait3A_604 = arith.constant 0 : i32
        %dma_wait3A_605 = arith.constant 0 : i32
        %dma_wait3A_606 = arith.constant 0 : i32
        %dma_wait3A_607 = tpu.memref_slice %arg7[%dma_wait3A_604, %dma_wait3A_605, %dma_wait3A_606] : memref<4x80x128xf32, #tpu.memory_space<vmem>> -> memref<1x80x128xf32, #tpu.memory_space<vmem>>
        %dma_wait3A_608 = tpu.memref_squeeze %dma_wait3A_607 : memref<1x80x128xf32, #tpu.memory_space<vmem>> -> memref<80x128xf32, #tpu.memory_space<vmem>>
        %dma_wait3A_609 = arith.constant 0 : i32
        %dma_wait3A_610 = arith.constant 0 : i32
        %dma_wait3A_611 = tpu.memref_slice %arg2[%dma_wait3A_609, %dma_wait3A_610] : memref<10000x128xf32, #tpu.memory_space<hbm>> -> memref<80x128xf32, #tpu.memory_space<hbm>>
        %dma_wait3A_612 = arith.constant 0 : i32
        %dma_wait3A_613 = arith.constant 0 : i32
        %dma_wait3A_614 = tpu.memref_slice %arg7[%dma_wait3A_604, %dma_wait3A_612, %dma_wait3A_613] : memref<4x80x128xf32, #tpu.memory_space<vmem>> -> memref<1x80x128xf32, #tpu.memory_space<vmem>>
        %dma_wait3A_615 = tpu.memref_squeeze %dma_wait3A_614 : memref<1x80x128xf32, #tpu.memory_space<vmem>> -> memref<80x128xf32, #tpu.memory_space<vmem>>
        %dma_wait3A_616 = arith.constant 0 : i32
        %dma_wait3A_617 = arith.constant 0 : i32
        %dma_wait3A_618 = tpu.memref_slice %arg2[%dma_wait3A_616, %dma_wait3A_617] : memref<10000x128xf32, #tpu.memory_space<hbm>> -> memref<80x128xf32, #tpu.memory_space<hbm>>
        tpu.wait_dma2 semaphore(%arg10 : memref<!tpu.dma_semaphore, #tpu.memory_space<semaphore_mem>>) src(%dma_wait3A_618 : memref<80x128xf32, #tpu.memory_space<hbm>>) dst(%dma_wait3A_615 : memref<80x128xf32, #tpu.memory_space<vmem>>)
        %dma_wait3A_619 = arith.constant 0 : i32
        %dma_wait3A_620 = arith.constant 0 : i32
        %dma_wait3A_621 = tpu.memref_slice %arg6[%dma_wait3A_619, %dma_wait3A_620] : memref<4x80xi32, #tpu.memory_space<vmem>> -> memref<1x80xi32, #tpu.memory_space<vmem>>
        %dma_wait3A_622 = tpu.memref_squeeze %dma_wait3A_621 : memref<1x80xi32, #tpu.memory_space<vmem>> -> memref<80xi32, #tpu.memory_space<vmem>>
        %dma_wait3A_623 = arith.constant 0 : i32
        %dma_wait3A_624 = tpu.memref_slice %arg3[%dma_wait3A_623] : memref<640000xi32, #tpu.memory_space<hbm>> -> memref<80xi32, #tpu.memory_space<hbm>>
        %dma_wait3A_625 = arith.constant 0 : i32
        %dma_wait3A_626 = tpu.memref_slice %arg6[%dma_wait3A_619, %dma_wait3A_625] : memref<4x80xi32, #tpu.memory_space<vmem>> -> memref<1x80xi32, #tpu.memory_space<vmem>>
        %dma_wait3A_627 = tpu.memref_squeeze %dma_wait3A_626 : memref<1x80xi32, #tpu.memory_space<vmem>> -> memref<80xi32, #tpu.memory_space<vmem>>
        %dma_wait3A_628 = arith.constant 0 : i32
        %dma_wait3A_629 = tpu.memref_slice %arg3[%dma_wait3A_628] : memref<640000xi32, #tpu.memory_space<hbm>> -> memref<80xi32, #tpu.memory_space<hbm>>
        tpu.wait_dma2 semaphore(%arg22 : memref<!tpu.dma_semaphore, #tpu.memory_space<semaphore_mem>>) src(%dma_wait3A_629 : memref<80xi32, #tpu.memory_space<hbm>>) dst(%dma_wait3A_627 : memref<80xi32, #tpu.memory_space<vmem>>)
        %dma_start3A_630 = arith.constant 0 : i32
        %dma_start3A_631 = arith.constant 0 : i32
        %dma_start3A_632 = arith.constant 0 : i32
        %dma_start3A_633 = arith.constant 0 : i32
        %dma_start3A_634 = tpu.memref_slice %arg7[%dma_start3A_630, %dma_start3A_632, %dma_start3A_633] : memref<4x80x128xf32, #tpu.memory_space<vmem>> -> memref<1x80x128xf32, #tpu.memory_space<vmem>>
        %dma_start3A_635 = tpu.memref_squeeze %dma_start3A_634 : memref<1x80x128xf32, #tpu.memory_space<vmem>> -> memref<80x128xf32, #tpu.memory_space<vmem>>
        %dma_start3A_636 = arith.constant 0 : i32
        %dma_start3A_637 = tpu.memref_slice %arg6[%dma_start3A_631, %dma_start3A_636] : memref<4x80xi32, #tpu.memory_space<vmem>> -> memref<1x80xi32, #tpu.memory_space<vmem>>
        %dma_start3A_638 = tpu.memref_squeeze %dma_start3A_637 : memref<1x80xi32, #tpu.memory_space<vmem>> -> memref<80xi32, #tpu.memory_space<vmem>>
        %dma_start3A_639 = arith.constant 0 : i32
        %dma_start3A_640 = arith.constant 0 : i32
        %dma_start3A_641 = tpu.memref_slice %arg9[%dma_start3A_639, %dma_start3A_640] : memref<10112x128xf32, #tpu.memory_space<vmem_shared>> -> memref<10112x128xf32, #tpu.memory_space<vmem_shared>>
        tpu.enqueue_indirect_dma source(%dma_start3A_635 : memref<80x128xf32, #tpu.memory_space<vmem>>) target(%dma_start3A_641 : memref<10112x128xf32, #tpu.memory_space<vmem_shared>>) offsets(%dma_start3A_638 : memref<80xi32, #tpu.memory_space<vmem>>) semaphore(%arg14 : memref<!tpu.dma_semaphore, #tpu.memory_space<semaphore_mem>>) {add = true}
        %add3A_642 = arith.constant 4 : i32
        %add3A_643 = arith.addi %add3A_549, %add3A_642 : i32
        %lt3A_644 = arith.cmpi slt, %add3A_643, %add3A_5 : i32
        %convert_element_type3A_645 = arith.extui %lt3A_644 : i1 to i32
        %cond3A_646 = arith.constant 0 : i32
        %cond3A_647 = arith.cmpi ne, %convert_element_type3A_645, %cond3A_646 : i32
        scf.if %cond3A_647 {
          %add3A_648 = arith.constant 4 : i32
          %add3A_649 = arith.addi %add3A_549, %add3A_648 : i32
          %add3A_650 = arith.addi %add3A_9, %add3A_649 : i32
          %mul3A_651 = arith.constant 80 : i32
          %mul3A_652 = arith.muli %add3A_650, %mul3A_651 : i32
          %dma_start3A_653 = arith.constant 0 : i32
          %dma_start3A_654 = arith.constant 0 : i32
          %dma_start3A_655 = tpu.memref_slice %arg5[%dma_start3A_653, %dma_start3A_654] : memref<4x80xi32, #tpu.memory_space<vmem>> -> memref<1x80xi32, #tpu.memory_space<vmem>>
          %dma_start3A_656 = tpu.memref_squeeze %dma_start3A_655 : memref<1x80xi32, #tpu.memory_space<vmem>> -> memref<80xi32, #tpu.memory_space<vmem>>
          %dma_start3A_657 = tpu.memref_slice %arg3[%mul3A_652] : memref<640000xi32, #tpu.memory_space<hbm>> -> memref<80xi32, #tpu.memory_space<hbm>>
          %dma_start3A_658 = arith.constant 0 : i32
          %dma_start3A_659 = tpu.memref_slice %arg5[%dma_start3A_653, %dma_start3A_658] : memref<4x80xi32, #tpu.memory_space<vmem>> -> memref<1x80xi32, #tpu.memory_space<vmem>>
          %dma_start3A_660 = tpu.memref_squeeze %dma_start3A_659 : memref<1x80xi32, #tpu.memory_space<vmem>> -> memref<80xi32, #tpu.memory_space<vmem>>
          %dma_start3A_661 = tpu.memref_slice %arg3[%mul3A_652] : memref<640000xi32, #tpu.memory_space<hbm>> -> memref<80xi32, #tpu.memory_space<hbm>>
          tpu.enqueue_dma source(%dma_start3A_661 : memref<80xi32, #tpu.memory_space<hbm>>) target(%dma_start3A_660 : memref<80xi32, #tpu.memory_space<vmem>>) target_semaphore(%arg18 : memref<!tpu.dma_semaphore, #tpu.memory_space<semaphore_mem>>)
        } else {
        }
      } else {
      }
      %add3A_554 = arith.constant 1 : i32
      %add3A_555 = arith.addi %add3A_547, %add3A_554 : i32
      %lt3A_556 = arith.cmpi slt, %add3A_555, %add3A_5 : i32
      %convert_element_type3A_557 = arith.extui %lt3A_556 : i1 to i32
      %cond3A_558 = arith.constant 0 : i32
      %cond3A_559 = arith.cmpi ne, %convert_element_type3A_557, %cond3A_558 : i32
      scf.if %cond3A_559 {
        %dma_wait3A_604 = arith.constant 1 : i32
        %dma_wait3A_605 = arith.constant 0 : i32
        %dma_wait3A_606 = arith.constant 0 : i32
        %dma_wait3A_607 = tpu.memref_slice %arg7[%dma_wait3A_604, %dma_wait3A_605, %dma_wait3A_606] : memref<4x80x128xf32, #tpu.memory_space<vmem>> -> memref<1x80x128xf32, #tpu.memory_space<vmem>>
        %dma_wait3A_608 = tpu.memref_squeeze %dma_wait3A_607 : memref<1x80x128xf32, #tpu.memory_space<vmem>> -> memref<80x128xf32, #tpu.memory_space<vmem>>
        %dma_wait3A_609 = arith.constant 0 : i32
        %dma_wait3A_610 = arith.constant 0 : i32
        %dma_wait3A_611 = tpu.memref_slice %arg2[%dma_wait3A_609, %dma_wait3A_610] : memref<10000x128xf32, #tpu.memory_space<hbm>> -> memref<80x128xf32, #tpu.memory_space<hbm>>
        %dma_wait3A_612 = arith.constant 0 : i32
        %dma_wait3A_613 = arith.constant 0 : i32
        %dma_wait3A_614 = tpu.memref_slice %arg7[%dma_wait3A_604, %dma_wait3A_612, %dma_wait3A_613] : memref<4x80x128xf32, #tpu.memory_space<vmem>> -> memref<1x80x128xf32, #tpu.memory_space<vmem>>
        %dma_wait3A_615 = tpu.memref_squeeze %dma_wait3A_614 : memref<1x80x128xf32, #tpu.memory_space<vmem>> -> memref<80x128xf32, #tpu.memory_space<vmem>>
        %dma_wait3A_616 = arith.constant 0 : i32
        %dma_wait3A_617 = arith.constant 0 : i32
        %dma_wait3A_618 = tpu.memref_slice %arg2[%dma_wait3A_616, %dma_wait3A_617] : memref<10000x128xf32, #tpu.memory_space<hbm>> -> memref<80x128xf32, #tpu.memory_space<hbm>>
        tpu.wait_dma2 semaphore(%arg11 : memref<!tpu.dma_semaphore, #tpu.memory_space<semaphore_mem>>) src(%dma_wait3A_618 : memref<80x128xf32, #tpu.memory_space<hbm>>) dst(%dma_wait3A_615 : memref<80x128xf32, #tpu.memory_space<vmem>>)
        %dma_wait3A_619 = arith.constant 1 : i32
        %dma_wait3A_620 = arith.constant 0 : i32
        %dma_wait3A_621 = tpu.memref_slice %arg6[%dma_wait3A_619, %dma_wait3A_620] : memref<4x80xi32, #tpu.memory_space<vmem>> -> memref<1x80xi32, #tpu.memory_space<vmem>>
        %dma_wait3A_622 = tpu.memref_squeeze %dma_wait3A_621 : memref<1x80xi32, #tpu.memory_space<vmem>> -> memref<80xi32, #tpu.memory_space<vmem>>
        %dma_wait3A_623 = arith.constant 0 : i32
        %dma_wait3A_624 = tpu.memref_slice %arg3[%dma_wait3A_623] : memref<640000xi32, #tpu.memory_space<hbm>> -> memref<80xi32, #tpu.memory_space<hbm>>
        %dma_wait3A_625 = arith.constant 0 : i32
        %dma_wait3A_626 = tpu.memref_slice %arg6[%dma_wait3A_619, %dma_wait3A_625] : memref<4x80xi32, #tpu.memory_space<vmem>> -> memref<1x80xi32, #tpu.memory_space<vmem>>
        %dma_wait3A_627 = tpu.memref_squeeze %dma_wait3A_626 : memref<1x80xi32, #tpu.memory_space<vmem>> -> memref<80xi32, #tpu.memory_space<vmem>>
        %dma_wait3A_628 = arith.constant 0 : i32
        %dma_wait3A_629 = tpu.memref_slice %arg3[%dma_wait3A_628] : memref<640000xi32, #tpu.memory_space<hbm>> -> memref<80xi32, #tpu.memory_space<hbm>>
        tpu.wait_dma2 semaphore(%arg23 : memref<!tpu.dma_semaphore, #tpu.memory_space<semaphore_mem>>) src(%dma_wait3A_629 : memref<80xi32, #tpu.memory_space<hbm>>) dst(%dma_wait3A_627 : memref<80xi32, #tpu.memory_space<vmem>>)
        %dma_start3A_630 = arith.constant 1 : i32
        %dma_start3A_631 = arith.constant 1 : i32
        %dma_start3A_632 = arith.constant 0 : i32
        %dma_start3A_633 = arith.constant 0 : i32
        %dma_start3A_634 = tpu.memref_slice %arg7[%dma_start3A_630, %dma_start3A_632, %dma_start3A_633] : memref<4x80x128xf32, #tpu.memory_space<vmem>> -> memref<1x80x128xf32, #tpu.memory_space<vmem>>
        %dma_start3A_635 = tpu.memref_squeeze %dma_start3A_634 : memref<1x80x128xf32, #tpu.memory_space<vmem>> -> memref<80x128xf32, #tpu.memory_space<vmem>>
        %dma_start3A_636 = arith.constant 0 : i32
        %dma_start3A_637 = tpu.memref_slice %arg6[%dma_start3A_631, %dma_start3A_636] : memref<4x80xi32, #tpu.memory_space<vmem>> -> memref<1x80xi32, #tpu.memory_space<vmem>>
        %dma_start3A_638 = tpu.memref_squeeze %dma_start3A_637 : memref<1x80xi32, #tpu.memory_space<vmem>> -> memref<80xi32, #tpu.memory_space<vmem>>
        %dma_start3A_639 = arith.constant 0 : i32
        %dma_start3A_640 = arith.constant 0 : i32
        %dma_start3A_641 = tpu.memref_slice %arg9[%dma_start3A_639, %dma_start3A_640] : memref<10112x128xf32, #tpu.memory_space<vmem_shared>> -> memref<10112x128xf32, #tpu.memory_space<vmem_shared>>
        tpu.enqueue_indirect_dma source(%dma_start3A_635 : memref<80x128xf32, #tpu.memory_space<vmem>>) target(%dma_start3A_641 : memref<10112x128xf32, #tpu.memory_space<vmem_shared>>) offsets(%dma_start3A_638 : memref<80xi32, #tpu.memory_space<vmem>>) semaphore(%arg15 : memref<!tpu.dma_semaphore, #tpu.memory_space<semaphore_mem>>) {add = true}
        %add3A_642 = arith.constant 4 : i32
        %add3A_643 = arith.addi %add3A_555, %add3A_642 : i32
        %lt3A_644 = arith.cmpi slt, %add3A_643, %add3A_5 : i32
        %convert_element_type3A_645 = arith.extui %lt3A_644 : i1 to i32
        %cond3A_646 = arith.constant 0 : i32
        %cond3A_647 = arith.cmpi ne, %convert_element_type3A_645, %cond3A_646 : i32
        scf.if %cond3A_647 {
          %add3A_648 = arith.constant 4 : i32
          %add3A_649 = arith.addi %add3A_555, %add3A_648 : i32
          %add3A_650 = arith.addi %add3A_9, %add3A_649 : i32
          %mul3A_651 = arith.constant 80 : i32
          %mul3A_652 = arith.muli %add3A_650, %mul3A_651 : i32
          %dma_start3A_653 = arith.constant 1 : i32
          %dma_start3A_654 = arith.constant 0 : i32
          %dma_start3A_655 = tpu.memref_slice %arg5[%dma_start3A_653, %dma_start3A_654] : memref<4x80xi32, #tpu.memory_space<vmem>> -> memref<1x80xi32, #tpu.memory_space<vmem>>
          %dma_start3A_656 = tpu.memref_squeeze %dma_start3A_655 : memref<1x80xi32, #tpu.memory_space<vmem>> -> memref<80xi32, #tpu.memory_space<vmem>>
          %dma_start3A_657 = tpu.memref_slice %arg3[%mul3A_652] : memref<640000xi32, #tpu.memory_space<hbm>> -> memref<80xi32, #tpu.memory_space<hbm>>
          %dma_start3A_658 = arith.constant 0 : i32
          %dma_start3A_659 = tpu.memref_slice %arg5[%dma_start3A_653, %dma_start3A_658] : memref<4x80xi32, #tpu.memory_space<vmem>> -> memref<1x80xi32, #tpu.memory_space<vmem>>
          %dma_start3A_660 = tpu.memref_squeeze %dma_start3A_659 : memref<1x80xi32, #tpu.memory_space<vmem>> -> memref<80xi32, #tpu.memory_space<vmem>>
          %dma_start3A_661 = tpu.memref_slice %arg3[%mul3A_652] : memref<640000xi32, #tpu.memory_space<hbm>> -> memref<80xi32, #tpu.memory_space<hbm>>
          tpu.enqueue_dma source(%dma_start3A_661 : memref<80xi32, #tpu.memory_space<hbm>>) target(%dma_start3A_660 : memref<80xi32, #tpu.memory_space<vmem>>) target_semaphore(%arg19 : memref<!tpu.dma_semaphore, #tpu.memory_space<semaphore_mem>>)
        } else {
        }
      } else {
      }
      %add3A_560 = arith.constant 2 : i32
      %add3A_561 = arith.addi %add3A_547, %add3A_560 : i32
      %lt3A_562 = arith.cmpi slt, %add3A_561, %add3A_5 : i32
      %convert_element_type3A_563 = arith.extui %lt3A_562 : i1 to i32
      %cond3A_564 = arith.constant 0 : i32
      %cond3A_565 = arith.cmpi ne, %convert_element_type3A_563, %cond3A_564 : i32
      scf.if %cond3A_565 {
        %dma_wait3A_604 = arith.constant 2 : i32
        %dma_wait3A_605 = arith.constant 0 : i32
        %dma_wait3A_606 = arith.constant 0 : i32
        %dma_wait3A_607 = tpu.memref_slice %arg7[%dma_wait3A_604, %dma_wait3A_605, %dma_wait3A_606] : memref<4x80x128xf32, #tpu.memory_space<vmem>> -> memref<1x80x128xf32, #tpu.memory_space<vmem>>
        %dma_wait3A_608 = tpu.memref_squeeze %dma_wait3A_607 : memref<1x80x128xf32, #tpu.memory_space<vmem>> -> memref<80x128xf32, #tpu.memory_space<vmem>>
        %dma_wait3A_609 = arith.constant 0 : i32
        %dma_wait3A_610 = arith.constant 0 : i32
        %dma_wait3A_611 = tpu.memref_slice %arg2[%dma_wait3A_609, %dma_wait3A_610] : memref<10000x128xf32, #tpu.memory_space<hbm>> -> memref<80x128xf32, #tpu.memory_space<hbm>>
        %dma_wait3A_612 = arith.constant 0 : i32
        %dma_wait3A_613 = arith.constant 0 : i32
        %dma_wait3A_614 = tpu.memref_slice %arg7[%dma_wait3A_604, %dma_wait3A_612, %dma_wait3A_613] : memref<4x80x128xf32, #tpu.memory_space<vmem>> -> memref<1x80x128xf32, #tpu.memory_space<vmem>>
        %dma_wait3A_615 = tpu.memref_squeeze %dma_wait3A_614 : memref<1x80x128xf32, #tpu.memory_space<vmem>> -> memref<80x128xf32, #tpu.memory_space<vmem>>
        %dma_wait3A_616 = arith.constant 0 : i32
        %dma_wait3A_617 = arith.constant 0 : i32
        %dma_wait3A_618 = tpu.memref_slice %arg2[%dma_wait3A_616, %dma_wait3A_617] : memref<10000x128xf32, #tpu.memory_space<hbm>> -> memref<80x128xf32, #tpu.memory_space<hbm>>
        tpu.wait_dma2 semaphore(%arg12 : memref<!tpu.dma_semaphore, #tpu.memory_space<semaphore_mem>>) src(%dma_wait3A_618 : memref<80x128xf32, #tpu.memory_space<hbm>>) dst(%dma_wait3A_615 : memref<80x128xf32, #tpu.memory_space<vmem>>)
        %dma_wait3A_619 = arith.constant 2 : i32
        %dma_wait3A_620 = arith.constant 0 : i32
        %dma_wait3A_621 = tpu.memref_slice %arg6[%dma_wait3A_619, %dma_wait3A_620] : memref<4x80xi32, #tpu.memory_space<vmem>> -> memref<1x80xi32, #tpu.memory_space<vmem>>
        %dma_wait3A_622 = tpu.memref_squeeze %dma_wait3A_621 : memref<1x80xi32, #tpu.memory_space<vmem>> -> memref<80xi32, #tpu.memory_space<vmem>>
        %dma_wait3A_623 = arith.constant 0 : i32
        %dma_wait3A_624 = tpu.memref_slice %arg3[%dma_wait3A_623] : memref<640000xi32, #tpu.memory_space<hbm>> -> memref<80xi32, #tpu.memory_space<hbm>>
        %dma_wait3A_625 = arith.constant 0 : i32
        %dma_wait3A_626 = tpu.memref_slice %arg6[%dma_wait3A_619, %dma_wait3A_625] : memref<4x80xi32, #tpu.memory_space<vmem>> -> memref<1x80xi32, #tpu.memory_space<vmem>>
        %dma_wait3A_627 = tpu.memref_squeeze %dma_wait3A_626 : memref<1x80xi32, #tpu.memory_space<vmem>> -> memref<80xi32, #tpu.memory_space<vmem>>
        %dma_wait3A_628 = arith.constant 0 : i32
        %dma_wait3A_629 = tpu.memref_slice %arg3[%dma_wait3A_628] : memref<640000xi32, #tpu.memory_space<hbm>> -> memref<80xi32, #tpu.memory_space<hbm>>
        tpu.wait_dma2 semaphore(%arg24 : memref<!tpu.dma_semaphore, #tpu.memory_space<semaphore_mem>>) src(%dma_wait3A_629 : memref<80xi32, #tpu.memory_space<hbm>>) dst(%dma_wait3A_627 : memref<80xi32, #tpu.memory_space<vmem>>)
        %dma_start3A_630 = arith.constant 2 : i32
        %dma_start3A_631 = arith.constant 2 : i32
        %dma_start3A_632 = arith.constant 0 : i32
        %dma_start3A_633 = arith.constant 0 : i32
        %dma_start3A_634 = tpu.memref_slice %arg7[%dma_start3A_630, %dma_start3A_632, %dma_start3A_633] : memref<4x80x128xf32, #tpu.memory_space<vmem>> -> memref<1x80x128xf32, #tpu.memory_space<vmem>>
        %dma_start3A_635 = tpu.memref_squeeze %dma_start3A_634 : memref<1x80x128xf32, #tpu.memory_space<vmem>> -> memref<80x128xf32, #tpu.memory_space<vmem>>
        %dma_start3A_636 = arith.constant 0 : i32
        %dma_start3A_637 = tpu.memref_slice %arg6[%dma_start3A_631, %dma_start3A_636] : memref<4x80xi32, #tpu.memory_space<vmem>> -> memref<1x80xi32, #tpu.memory_space<vmem>>
        %dma_start3A_638 = tpu.memref_squeeze %dma_start3A_637 : memref<1x80xi32, #tpu.memory_space<vmem>> -> memref<80xi32, #tpu.memory_space<vmem>>
        %dma_start3A_639 = arith.constant 0 : i32
        %dma_start3A_640 = arith.constant 0 : i32
        %dma_start3A_641 = tpu.memref_slice %arg9[%dma_start3A_639, %dma_start3A_640] : memref<10112x128xf32, #tpu.memory_space<vmem_shared>> -> memref<10112x128xf32, #tpu.memory_space<vmem_shared>>
        tpu.enqueue_indirect_dma source(%dma_start3A_635 : memref<80x128xf32, #tpu.memory_space<vmem>>) target(%dma_start3A_641 : memref<10112x128xf32, #tpu.memory_space<vmem_shared>>) offsets(%dma_start3A_638 : memref<80xi32, #tpu.memory_space<vmem>>) semaphore(%arg16 : memref<!tpu.dma_semaphore, #tpu.memory_space<semaphore_mem>>) {add = true}
        %add3A_642 = arith.constant 4 : i32
        %add3A_643 = arith.addi %add3A_561, %add3A_642 : i32
        %lt3A_644 = arith.cmpi slt, %add3A_643, %add3A_5 : i32
        %convert_element_type3A_645 = arith.extui %lt3A_644 : i1 to i32
        %cond3A_646 = arith.constant 0 : i32
        %cond3A_647 = arith.cmpi ne, %convert_element_type3A_645, %cond3A_646 : i32
        scf.if %cond3A_647 {
          %add3A_648 = arith.constant 4 : i32
          %add3A_649 = arith.addi %add3A_561, %add3A_648 : i32
          %add3A_650 = arith.addi %add3A_9, %add3A_649 : i32
          %mul3A_651 = arith.constant 80 : i32
          %mul3A_652 = arith.muli %add3A_650, %mul3A_651 : i32
          %dma_start3A_653 = arith.constant 2 : i32
          %dma_start3A_654 = arith.constant 0 : i32
          %dma_start3A_655 = tpu.memref_slice %arg5[%dma_start3A_653, %dma_start3A_654] : memref<4x80xi32, #tpu.memory_space<vmem>> -> memref<1x80xi32, #tpu.memory_space<vmem>>
          %dma_start3A_656 = tpu.memref_squeeze %dma_start3A_655 : memref<1x80xi32, #tpu.memory_space<vmem>> -> memref<80xi32, #tpu.memory_space<vmem>>
          %dma_start3A_657 = tpu.memref_slice %arg3[%mul3A_652] : memref<640000xi32, #tpu.memory_space<hbm>> -> memref<80xi32, #tpu.memory_space<hbm>>
          %dma_start3A_658 = arith.constant 0 : i32
          %dma_start3A_659 = tpu.memref_slice %arg5[%dma_start3A_653, %dma_start3A_658] : memref<4x80xi32, #tpu.memory_space<vmem>> -> memref<1x80xi32, #tpu.memory_space<vmem>>
          %dma_start3A_660 = tpu.memref_squeeze %dma_start3A_659 : memref<1x80xi32, #tpu.memory_space<vmem>> -> memref<80xi32, #tpu.memory_space<vmem>>
          %dma_start3A_661 = tpu.memref_slice %arg3[%mul3A_652] : memref<640000xi32, #tpu.memory_space<hbm>> -> memref<80xi32, #tpu.memory_space<hbm>>
          tpu.enqueue_dma source(%dma_start3A_661 : memref<80xi32, #tpu.memory_space<hbm>>) target(%dma_start3A_660 : memref<80xi32, #tpu.memory_space<vmem>>) target_semaphore(%arg20 : memref<!tpu.dma_semaphore, #tpu.memory_space<semaphore_mem>>)
        } else {
        }
      } else {
      }
      %add3A_566 = arith.constant 3 : i32
      %add3A_567 = arith.addi %add3A_547, %add3A_566 : i32
      %lt3A_568 = arith.cmpi slt, %add3A_567, %add3A_5 : i32
      %convert_element_type3A_569 = arith.extui %lt3A_568 : i1 to i32
      %cond3A_570 = arith.constant 0 : i32
      %cond3A_571 = arith.cmpi ne, %convert_element_type3A_569, %cond3A_570 : i32
      scf.if %cond3A_571 {
        %dma_wait3A_604 = arith.constant 3 : i32
        %dma_wait3A_605 = arith.constant 0 : i32
        %dma_wait3A_606 = arith.constant 0 : i32
        %dma_wait3A_607 = tpu.memref_slice %arg7[%dma_wait3A_604, %dma_wait3A_605, %dma_wait3A_606] : memref<4x80x128xf32, #tpu.memory_space<vmem>> -> memref<1x80x128xf32, #tpu.memory_space<vmem>>
        %dma_wait3A_608 = tpu.memref_squeeze %dma_wait3A_607 : memref<1x80x128xf32, #tpu.memory_space<vmem>> -> memref<80x128xf32, #tpu.memory_space<vmem>>
        %dma_wait3A_609 = arith.constant 0 : i32
        %dma_wait3A_610 = arith.constant 0 : i32
        %dma_wait3A_611 = tpu.memref_slice %arg2[%dma_wait3A_609, %dma_wait3A_610] : memref<10000x128xf32, #tpu.memory_space<hbm>> -> memref<80x128xf32, #tpu.memory_space<hbm>>
        %dma_wait3A_612 = arith.constant 0 : i32
        %dma_wait3A_613 = arith.constant 0 : i32
        %dma_wait3A_614 = tpu.memref_slice %arg7[%dma_wait3A_604, %dma_wait3A_612, %dma_wait3A_613] : memref<4x80x128xf32, #tpu.memory_space<vmem>> -> memref<1x80x128xf32, #tpu.memory_space<vmem>>
        %dma_wait3A_615 = tpu.memref_squeeze %dma_wait3A_614 : memref<1x80x128xf32, #tpu.memory_space<vmem>> -> memref<80x128xf32, #tpu.memory_space<vmem>>
        %dma_wait3A_616 = arith.constant 0 : i32
        %dma_wait3A_617 = arith.constant 0 : i32
        %dma_wait3A_618 = tpu.memref_slice %arg2[%dma_wait3A_616, %dma_wait3A_617] : memref<10000x128xf32, #tpu.memory_space<hbm>> -> memref<80x128xf32, #tpu.memory_space<hbm>>
        tpu.wait_dma2 semaphore(%arg13 : memref<!tpu.dma_semaphore, #tpu.memory_space<semaphore_mem>>) src(%dma_wait3A_618 : memref<80x128xf32, #tpu.memory_space<hbm>>) dst(%dma_wait3A_615 : memref<80x128xf32, #tpu.memory_space<vmem>>)
        %dma_wait3A_619 = arith.constant 3 : i32
        %dma_wait3A_620 = arith.constant 0 : i32
        %dma_wait3A_621 = tpu.memref_slice %arg6[%dma_wait3A_619, %dma_wait3A_620] : memref<4x80xi32, #tpu.memory_space<vmem>> -> memref<1x80xi32, #tpu.memory_space<vmem>>
        %dma_wait3A_622 = tpu.memref_squeeze %dma_wait3A_621 : memref<1x80xi32, #tpu.memory_space<vmem>> -> memref<80xi32, #tpu.memory_space<vmem>>
        %dma_wait3A_623 = arith.constant 0 : i32
        %dma_wait3A_624 = tpu.memref_slice %arg3[%dma_wait3A_623] : memref<640000xi32, #tpu.memory_space<hbm>> -> memref<80xi32, #tpu.memory_space<hbm>>
        %dma_wait3A_625 = arith.constant 0 : i32
        %dma_wait3A_626 = tpu.memref_slice %arg6[%dma_wait3A_619, %dma_wait3A_625] : memref<4x80xi32, #tpu.memory_space<vmem>> -> memref<1x80xi32, #tpu.memory_space<vmem>>
        %dma_wait3A_627 = tpu.memref_squeeze %dma_wait3A_626 : memref<1x80xi32, #tpu.memory_space<vmem>> -> memref<80xi32, #tpu.memory_space<vmem>>
        %dma_wait3A_628 = arith.constant 0 : i32
        %dma_wait3A_629 = tpu.memref_slice %arg3[%dma_wait3A_628] : memref<640000xi32, #tpu.memory_space<hbm>> -> memref<80xi32, #tpu.memory_space<hbm>>
        tpu.wait_dma2 semaphore(%arg25 : memref<!tpu.dma_semaphore, #tpu.memory_space<semaphore_mem>>) src(%dma_wait3A_629 : memref<80xi32, #tpu.memory_space<hbm>>) dst(%dma_wait3A_627 : memref<80xi32, #tpu.memory_space<vmem>>)
        %dma_start3A_630 = arith.constant 3 : i32
        %dma_start3A_631 = arith.constant 3 : i32
        %dma_start3A_632 = arith.constant 0 : i32
        %dma_start3A_633 = arith.constant 0 : i32
        %dma_start3A_634 = tpu.memref_slice %arg7[%dma_start3A_630, %dma_start3A_632, %dma_start3A_633] : memref<4x80x128xf32, #tpu.memory_space<vmem>> -> memref<1x80x128xf32, #tpu.memory_space<vmem>>
        %dma_start3A_635 = tpu.memref_squeeze %dma_start3A_634 : memref<1x80x128xf32, #tpu.memory_space<vmem>> -> memref<80x128xf32, #tpu.memory_space<vmem>>
        %dma_start3A_636 = arith.constant 0 : i32
        %dma_start3A_637 = tpu.memref_slice %arg6[%dma_start3A_631, %dma_start3A_636] : memref<4x80xi32, #tpu.memory_space<vmem>> -> memref<1x80xi32, #tpu.memory_space<vmem>>
        %dma_start3A_638 = tpu.memref_squeeze %dma_start3A_637 : memref<1x80xi32, #tpu.memory_space<vmem>> -> memref<80xi32, #tpu.memory_space<vmem>>
        %dma_start3A_639 = arith.constant 0 : i32
        %dma_start3A_640 = arith.constant 0 : i32
        %dma_start3A_641 = tpu.memref_slice %arg9[%dma_start3A_639, %dma_start3A_640] : memref<10112x128xf32, #tpu.memory_space<vmem_shared>> -> memref<10112x128xf32, #tpu.memory_space<vmem_shared>>
        tpu.enqueue_indirect_dma source(%dma_start3A_635 : memref<80x128xf32, #tpu.memory_space<vmem>>) target(%dma_start3A_641 : memref<10112x128xf32, #tpu.memory_space<vmem_shared>>) offsets(%dma_start3A_638 : memref<80xi32, #tpu.memory_space<vmem>>) semaphore(%arg17 : memref<!tpu.dma_semaphore, #tpu.memory_space<semaphore_mem>>) {add = true}
        %add3A_642 = arith.constant 4 : i32
        %add3A_643 = arith.addi %add3A_567, %add3A_642 : i32
        %lt3A_644 = arith.cmpi slt, %add3A_643, %add3A_5 : i32
        %convert_element_type3A_645 = arith.extui %lt3A_644 : i1 to i32
        %cond3A_646 = arith.constant 0 : i32
        %cond3A_647 = arith.cmpi ne, %convert_element_type3A_645, %cond3A_646 : i32
        scf.if %cond3A_647 {
          %add3A_648 = arith.constant 4 : i32
          %add3A_649 = arith.addi %add3A_567, %add3A_648 : i32
          %add3A_650 = arith.addi %add3A_9, %add3A_649 : i32
          %mul3A_651 = arith.constant 80 : i32
          %mul3A_652 = arith.muli %add3A_650, %mul3A_651 : i32
          %dma_start3A_653 = arith.constant 3 : i32
          %dma_start3A_654 = arith.constant 0 : i32
          %dma_start3A_655 = tpu.memref_slice %arg5[%dma_start3A_653, %dma_start3A_654] : memref<4x80xi32, #tpu.memory_space<vmem>> -> memref<1x80xi32, #tpu.memory_space<vmem>>
          %dma_start3A_656 = tpu.memref_squeeze %dma_start3A_655 : memref<1x80xi32, #tpu.memory_space<vmem>> -> memref<80xi32, #tpu.memory_space<vmem>>
          %dma_start3A_657 = tpu.memref_slice %arg3[%mul3A_652] : memref<640000xi32, #tpu.memory_space<hbm>> -> memref<80xi32, #tpu.memory_space<hbm>>
          %dma_start3A_658 = arith.constant 0 : i32
          %dma_start3A_659 = tpu.memref_slice %arg5[%dma_start3A_653, %dma_start3A_658] : memref<4x80xi32, #tpu.memory_space<vmem>> -> memref<1x80xi32, #tpu.memory_space<vmem>>
          %dma_start3A_660 = tpu.memref_squeeze %dma_start3A_659 : memref<1x80xi32, #tpu.memory_space<vmem>> -> memref<80xi32, #tpu.memory_space<vmem>>
          %dma_start3A_661 = tpu.memref_slice %arg3[%mul3A_652] : memref<640000xi32, #tpu.memory_space<hbm>> -> memref<80xi32, #tpu.memory_space<hbm>>
          tpu.enqueue_dma source(%dma_start3A_661 : memref<80xi32, #tpu.memory_space<hbm>>) target(%dma_start3A_660 : memref<80xi32, #tpu.memory_space<vmem>>) target_semaphore(%arg21 : memref<!tpu.dma_semaphore, #tpu.memory_space<semaphore_mem>>)
        } else {
        }
      } else {
      }
      %add3A_572 = arith.constant 4 : i32
      %add3A_573 = arith.addi %add3A_547, %add3A_572 : i32
      %add3A_574 = arith.constant 0 : i32
      %add3A_575 = arith.addi %add3A_573, %add3A_574 : i32
      %lt3A_576 = arith.cmpi slt, %add3A_575, %add3A_5 : i32
      %convert_element_type3A_577 = arith.extui %lt3A_576 : i1 to i32
      %cond3A_578 = arith.constant 0 : i32
      %cond3A_579 = arith.cmpi ne, %convert_element_type3A_577, %cond3A_578 : i32
      scf.if %cond3A_579 {
        %dma_wait3A_604 = arith.constant 0 : i32
        %dma_wait3A_605 = arith.constant 0 : i32
        %dma_wait3A_606 = arith.constant 0 : i32
        %dma_wait3A_607 = tpu.memref_slice %arg7[%dma_wait3A_604, %dma_wait3A_605, %dma_wait3A_606] : memref<4x80x128xf32, #tpu.memory_space<vmem>> -> memref<1x80x128xf32, #tpu.memory_space<vmem>>
        %dma_wait3A_608 = tpu.memref_squeeze %dma_wait3A_607 : memref<1x80x128xf32, #tpu.memory_space<vmem>> -> memref<80x128xf32, #tpu.memory_space<vmem>>
        %dma_wait3A_609 = arith.constant 0 : i32
        %dma_wait3A_610 = arith.constant 0 : i32
        %dma_wait3A_611 = tpu.memref_slice %arg2[%dma_wait3A_609, %dma_wait3A_610] : memref<10000x128xf32, #tpu.memory_space<hbm>> -> memref<80x128xf32, #tpu.memory_space<hbm>>
        %dma_wait3A_612 = arith.constant 0 : i32
        %dma_wait3A_613 = arith.constant 0 : i32
        %dma_wait3A_614 = tpu.memref_slice %arg7[%dma_wait3A_604, %dma_wait3A_612, %dma_wait3A_613] : memref<4x80x128xf32, #tpu.memory_space<vmem>> -> memref<1x80x128xf32, #tpu.memory_space<vmem>>
        %dma_wait3A_615 = tpu.memref_squeeze %dma_wait3A_614 : memref<1x80x128xf32, #tpu.memory_space<vmem>> -> memref<80x128xf32, #tpu.memory_space<vmem>>
        %dma_wait3A_616 = arith.constant 0 : i32
        %dma_wait3A_617 = arith.constant 0 : i32
        %dma_wait3A_618 = tpu.memref_slice %arg2[%dma_wait3A_616, %dma_wait3A_617] : memref<10000x128xf32, #tpu.memory_space<hbm>> -> memref<80x128xf32, #tpu.memory_space<hbm>>
        tpu.wait_dma2 semaphore(%arg14 : memref<!tpu.dma_semaphore, #tpu.memory_space<semaphore_mem>>) src(%dma_wait3A_618 : memref<80x128xf32, #tpu.memory_space<hbm>>) dst(%dma_wait3A_615 : memref<80x128xf32, #tpu.memory_space<vmem>>)
        %add3A_619 = arith.addi %add3A_9, %add3A_575 : i32
        %mul3A_620 = arith.constant 80 : i32
        %mul3A_621 = arith.muli %add3A_619, %mul3A_620 : i32
        %add3A_622 = arith.constant 320000 : i32
        %add3A_623 = arith.addi %add3A_622, %mul3A_621 : i32
        %dma_start3A_624 = arith.constant 0 : i32
        %dma_start3A_625 = arith.constant 0 : i32
        %dma_start3A_626 = tpu.memref_slice %arg6[%dma_start3A_624, %dma_start3A_625] : memref<4x80xi32, #tpu.memory_space<vmem>> -> memref<1x80xi32, #tpu.memory_space<vmem>>
        %dma_start3A_627 = tpu.memref_squeeze %dma_start3A_626 : memref<1x80xi32, #tpu.memory_space<vmem>> -> memref<80xi32, #tpu.memory_space<vmem>>
        %dma_start3A_628 = tpu.memref_slice %arg3[%add3A_623] : memref<640000xi32, #tpu.memory_space<hbm>> -> memref<80xi32, #tpu.memory_space<hbm>>
        %dma_start3A_629 = arith.constant 0 : i32
        %dma_start3A_630 = tpu.memref_slice %arg6[%dma_start3A_624, %dma_start3A_629] : memref<4x80xi32, #tpu.memory_space<vmem>> -> memref<1x80xi32, #tpu.memory_space<vmem>>
        %dma_start3A_631 = tpu.memref_squeeze %dma_start3A_630 : memref<1x80xi32, #tpu.memory_space<vmem>> -> memref<80xi32, #tpu.memory_space<vmem>>
        %dma_start3A_632 = tpu.memref_slice %arg3[%add3A_623] : memref<640000xi32, #tpu.memory_space<hbm>> -> memref<80xi32, #tpu.memory_space<hbm>>
        tpu.enqueue_dma source(%dma_start3A_632 : memref<80xi32, #tpu.memory_space<hbm>>) target(%dma_start3A_631 : memref<80xi32, #tpu.memory_space<vmem>>) target_semaphore(%arg22 : memref<!tpu.dma_semaphore, #tpu.memory_space<semaphore_mem>>)
        %dma_wait3A_633 = arith.constant 0 : i32
        %dma_wait3A_634 = arith.constant 0 : i32
        %dma_wait3A_635 = tpu.memref_slice %arg5[%dma_wait3A_633, %dma_wait3A_634] : memref<4x80xi32, #tpu.memory_space<vmem>> -> memref<1x80xi32, #tpu.memory_space<vmem>>
        %dma_wait3A_636 = tpu.memref_squeeze %dma_wait3A_635 : memref<1x80xi32, #tpu.memory_space<vmem>> -> memref<80xi32, #tpu.memory_space<vmem>>
        %dma_wait3A_637 = arith.constant 0 : i32
        %dma_wait3A_638 = tpu.memref_slice %arg3[%dma_wait3A_637] : memref<640000xi32, #tpu.memory_space<hbm>> -> memref<80xi32, #tpu.memory_space<hbm>>
        %dma_wait3A_639 = arith.constant 0 : i32
        %dma_wait3A_640 = tpu.memref_slice %arg5[%dma_wait3A_633, %dma_wait3A_639] : memref<4x80xi32, #tpu.memory_space<vmem>> -> memref<1x80xi32, #tpu.memory_space<vmem>>
        %dma_wait3A_641 = tpu.memref_squeeze %dma_wait3A_640 : memref<1x80xi32, #tpu.memory_space<vmem>> -> memref<80xi32, #tpu.memory_space<vmem>>
        %dma_wait3A_642 = arith.constant 0 : i32
        %dma_wait3A_643 = tpu.memref_slice %arg3[%dma_wait3A_642] : memref<640000xi32, #tpu.memory_space<hbm>> -> memref<80xi32, #tpu.memory_space<hbm>>
        tpu.wait_dma2 semaphore(%arg18 : memref<!tpu.dma_semaphore, #tpu.memory_space<semaphore_mem>>) src(%dma_wait3A_643 : memref<80xi32, #tpu.memory_space<hbm>>) dst(%dma_wait3A_641 : memref<80xi32, #tpu.memory_space<vmem>>)
        %dma_start3A_644 = arith.constant 0 : i32
        %dma_start3A_645 = arith.constant 0 : i32
        %dma_start3A_646 = arith.constant 0 : i32
        %dma_start3A_647 = arith.constant 0 : i32
        %dma_start3A_648 = tpu.memref_slice %arg7[%dma_start3A_645, %dma_start3A_646, %dma_start3A_647] : memref<4x80x128xf32, #tpu.memory_space<vmem>> -> memref<1x80x128xf32, #tpu.memory_space<vmem>>
        %dma_start3A_649 = tpu.memref_squeeze %dma_start3A_648 : memref<1x80x128xf32, #tpu.memory_space<vmem>> -> memref<80x128xf32, #tpu.memory_space<vmem>>
        %dma_start3A_650 = arith.constant 0 : i32
        %dma_start3A_651 = tpu.memref_slice %arg5[%dma_start3A_644, %dma_start3A_650] : memref<4x80xi32, #tpu.memory_space<vmem>> -> memref<1x80xi32, #tpu.memory_space<vmem>>
        %dma_start3A_652 = tpu.memref_squeeze %dma_start3A_651 : memref<1x80xi32, #tpu.memory_space<vmem>> -> memref<80xi32, #tpu.memory_space<vmem>>
        %dma_start3A_653 = arith.constant 0 : i32
        %dma_start3A_654 = arith.constant 0 : i32
        %dma_start3A_655 = tpu.memref_slice %arg2[%dma_start3A_653, %dma_start3A_654] : memref<10000x128xf32, #tpu.memory_space<hbm>> -> memref<10000x128xf32, #tpu.memory_space<hbm>>
        tpu.enqueue_indirect_dma source(%dma_start3A_655 : memref<10000x128xf32, #tpu.memory_space<hbm>>) target(%dma_start3A_649 : memref<80x128xf32, #tpu.memory_space<vmem>>) offsets(%dma_start3A_652 : memref<80xi32, #tpu.memory_space<vmem>>) semaphore(%arg10 : memref<!tpu.dma_semaphore, #tpu.memory_space<semaphore_mem>>)
      } else {
      }
      %add3A_580 = arith.constant 4 : i32
      %add3A_581 = arith.addi %add3A_547, %add3A_580 : i32
      %add3A_582 = arith.constant 1 : i32
      %add3A_583 = arith.addi %add3A_581, %add3A_582 : i32
      %lt3A_584 = arith.cmpi slt, %add3A_583, %add3A_5 : i32
      %convert_element_type3A_585 = arith.extui %lt3A_584 : i1 to i32
      %cond3A_586 = arith.constant 0 : i32
      %cond3A_587 = arith.cmpi ne, %convert_element_type3A_585, %cond3A_586 : i32
      scf.if %cond3A_587 {
        %dma_wait3A_604 = arith.constant 1 : i32
        %dma_wait3A_605 = arith.constant 0 : i32
        %dma_wait3A_606 = arith.constant 0 : i32
        %dma_wait3A_607 = tpu.memref_slice %arg7[%dma_wait3A_604, %dma_wait3A_605, %dma_wait3A_606] : memref<4x80x128xf32, #tpu.memory_space<vmem>> -> memref<1x80x128xf32, #tpu.memory_space<vmem>>
        %dma_wait3A_608 = tpu.memref_squeeze %dma_wait3A_607 : memref<1x80x128xf32, #tpu.memory_space<vmem>> -> memref<80x128xf32, #tpu.memory_space<vmem>>
        %dma_wait3A_609 = arith.constant 0 : i32
        %dma_wait3A_610 = arith.constant 0 : i32
        %dma_wait3A_611 = tpu.memref_slice %arg2[%dma_wait3A_609, %dma_wait3A_610] : memref<10000x128xf32, #tpu.memory_space<hbm>> -> memref<80x128xf32, #tpu.memory_space<hbm>>
        %dma_wait3A_612 = arith.constant 0 : i32
        %dma_wait3A_613 = arith.constant 0 : i32
        %dma_wait3A_614 = tpu.memref_slice %arg7[%dma_wait3A_604, %dma_wait3A_612, %dma_wait3A_613] : memref<4x80x128xf32, #tpu.memory_space<vmem>> -> memref<1x80x128xf32, #tpu.memory_space<vmem>>
        %dma_wait3A_615 = tpu.memref_squeeze %dma_wait3A_614 : memref<1x80x128xf32, #tpu.memory_space<vmem>> -> memref<80x128xf32, #tpu.memory_space<vmem>>
        %dma_wait3A_616 = arith.constant 0 : i32
        %dma_wait3A_617 = arith.constant 0 : i32
        %dma_wait3A_618 = tpu.memref_slice %arg2[%dma_wait3A_616, %dma_wait3A_617] : memref<10000x128xf32, #tpu.memory_space<hbm>> -> memref<80x128xf32, #tpu.memory_space<hbm>>
        tpu.wait_dma2 semaphore(%arg15 : memref<!tpu.dma_semaphore, #tpu.memory_space<semaphore_mem>>) src(%dma_wait3A_618 : memref<80x128xf32, #tpu.memory_space<hbm>>) dst(%dma_wait3A_615 : memref<80x128xf32, #tpu.memory_space<vmem>>)
        %add3A_619 = arith.addi %add3A_9, %add3A_583 : i32
        %mul3A_620 = arith.constant 80 : i32
        %mul3A_621 = arith.muli %add3A_619, %mul3A_620 : i32
        %add3A_622 = arith.constant 320000 : i32
        %add3A_623 = arith.addi %add3A_622, %mul3A_621 : i32
        %dma_start3A_624 = arith.constant 1 : i32
        %dma_start3A_625 = arith.constant 0 : i32
        %dma_start3A_626 = tpu.memref_slice %arg6[%dma_start3A_624, %dma_start3A_625] : memref<4x80xi32, #tpu.memory_space<vmem>> -> memref<1x80xi32, #tpu.memory_space<vmem>>
        %dma_start3A_627 = tpu.memref_squeeze %dma_start3A_626 : memref<1x80xi32, #tpu.memory_space<vmem>> -> memref<80xi32, #tpu.memory_space<vmem>>
        %dma_start3A_628 = tpu.memref_slice %arg3[%add3A_623] : memref<640000xi32, #tpu.memory_space<hbm>> -> memref<80xi32, #tpu.memory_space<hbm>>
        %dma_start3A_629 = arith.constant 0 : i32
        %dma_start3A_630 = tpu.memref_slice %arg6[%dma_start3A_624, %dma_start3A_629] : memref<4x80xi32, #tpu.memory_space<vmem>> -> memref<1x80xi32, #tpu.memory_space<vmem>>
        %dma_start3A_631 = tpu.memref_squeeze %dma_start3A_630 : memref<1x80xi32, #tpu.memory_space<vmem>> -> memref<80xi32, #tpu.memory_space<vmem>>
        %dma_start3A_632 = tpu.memref_slice %arg3[%add3A_623] : memref<640000xi32, #tpu.memory_space<hbm>> -> memref<80xi32, #tpu.memory_space<hbm>>
        tpu.enqueue_dma source(%dma_start3A_632 : memref<80xi32, #tpu.memory_space<hbm>>) target(%dma_start3A_631 : memref<80xi32, #tpu.memory_space<vmem>>) target_semaphore(%arg23 : memref<!tpu.dma_semaphore, #tpu.memory_space<semaphore_mem>>)
        %dma_wait3A_633 = arith.constant 1 : i32
        %dma_wait3A_634 = arith.constant 0 : i32
        %dma_wait3A_635 = tpu.memref_slice %arg5[%dma_wait3A_633, %dma_wait3A_634] : memref<4x80xi32, #tpu.memory_space<vmem>> -> memref<1x80xi32, #tpu.memory_space<vmem>>
        %dma_wait3A_636 = tpu.memref_squeeze %dma_wait3A_635 : memref<1x80xi32, #tpu.memory_space<vmem>> -> memref<80xi32, #tpu.memory_space<vmem>>
        %dma_wait3A_637 = arith.constant 0 : i32
        %dma_wait3A_638 = tpu.memref_slice %arg3[%dma_wait3A_637] : memref<640000xi32, #tpu.memory_space<hbm>> -> memref<80xi32, #tpu.memory_space<hbm>>
        %dma_wait3A_639 = arith.constant 0 : i32
        %dma_wait3A_640 = tpu.memref_slice %arg5[%dma_wait3A_633, %dma_wait3A_639] : memref<4x80xi32, #tpu.memory_space<vmem>> -> memref<1x80xi32, #tpu.memory_space<vmem>>
        %dma_wait3A_641 = tpu.memref_squeeze %dma_wait3A_640 : memref<1x80xi32, #tpu.memory_space<vmem>> -> memref<80xi32, #tpu.memory_space<vmem>>
        %dma_wait3A_642 = arith.constant 0 : i32
        %dma_wait3A_643 = tpu.memref_slice %arg3[%dma_wait3A_642] : memref<640000xi32, #tpu.memory_space<hbm>> -> memref<80xi32, #tpu.memory_space<hbm>>
        tpu.wait_dma2 semaphore(%arg19 : memref<!tpu.dma_semaphore, #tpu.memory_space<semaphore_mem>>) src(%dma_wait3A_643 : memref<80xi32, #tpu.memory_space<hbm>>) dst(%dma_wait3A_641 : memref<80xi32, #tpu.memory_space<vmem>>)
        %dma_start3A_644 = arith.constant 1 : i32
        %dma_start3A_645 = arith.constant 1 : i32
        %dma_start3A_646 = arith.constant 0 : i32
        %dma_start3A_647 = arith.constant 0 : i32
        %dma_start3A_648 = tpu.memref_slice %arg7[%dma_start3A_645, %dma_start3A_646, %dma_start3A_647] : memref<4x80x128xf32, #tpu.memory_space<vmem>> -> memref<1x80x128xf32, #tpu.memory_space<vmem>>
        %dma_start3A_649 = tpu.memref_squeeze %dma_start3A_648 : memref<1x80x128xf32, #tpu.memory_space<vmem>> -> memref<80x128xf32, #tpu.memory_space<vmem>>
        %dma_start3A_650 = arith.constant 0 : i32
        %dma_start3A_651 = tpu.memref_slice %arg5[%dma_start3A_644, %dma_start3A_650] : memref<4x80xi32, #tpu.memory_space<vmem>> -> memref<1x80xi32, #tpu.memory_space<vmem>>
        %dma_start3A_652 = tpu.memref_squeeze %dma_start3A_651 : memref<1x80xi32, #tpu.memory_space<vmem>> -> memref<80xi32, #tpu.memory_space<vmem>>
        %dma_start3A_653 = arith.constant 0 : i32
        %dma_start3A_654 = arith.constant 0 : i32
        %dma_start3A_655 = tpu.memref_slice %arg2[%dma_start3A_653, %dma_start3A_654] : memref<10000x128xf32, #tpu.memory_space<hbm>> -> memref<10000x128xf32, #tpu.memory_space<hbm>>
        tpu.enqueue_indirect_dma source(%dma_start3A_655 : memref<10000x128xf32, #tpu.memory_space<hbm>>) target(%dma_start3A_649 : memref<80x128xf32, #tpu.memory_space<vmem>>) offsets(%dma_start3A_652 : memref<80xi32, #tpu.memory_space<vmem>>) semaphore(%arg11 : memref<!tpu.dma_semaphore, #tpu.memory_space<semaphore_mem>>)
      } else {
      }
      %add3A_588 = arith.constant 4 : i32
      %add3A_589 = arith.addi %add3A_547, %add3A_588 : i32
      %add3A_590 = arith.constant 2 : i32
      %add3A_591 = arith.addi %add3A_589, %add3A_590 : i32
      %lt3A_592 = arith.cmpi slt, %add3A_591, %add3A_5 : i32
      %convert_element_type3A_593 = arith.extui %lt3A_592 : i1 to i32
      %cond3A_594 = arith.constant 0 : i32
      %cond3A_595 = arith.cmpi ne, %convert_element_type3A_593, %cond3A_594 : i32
      scf.if %cond3A_595 {
        %dma_wait3A_604 = arith.constant 2 : i32
        %dma_wait3A_605 = arith.constant 0 : i32
        %dma_wait3A_606 = arith.constant 0 : i32
        %dma_wait3A_607 = tpu.memref_slice %arg7[%dma_wait3A_604, %dma_wait3A_605, %dma_wait3A_606] : memref<4x80x128xf32, #tpu.memory_space<vmem>> -> memref<1x80x128xf32, #tpu.memory_space<vmem>>
        %dma_wait3A_608 = tpu.memref_squeeze %dma_wait3A_607 : memref<1x80x128xf32, #tpu.memory_space<vmem>> -> memref<80x128xf32, #tpu.memory_space<vmem>>
        %dma_wait3A_609 = arith.constant 0 : i32
        %dma_wait3A_610 = arith.constant 0 : i32
        %dma_wait3A_611 = tpu.memref_slice %arg2[%dma_wait3A_609, %dma_wait3A_610] : memref<10000x128xf32, #tpu.memory_space<hbm>> -> memref<80x128xf32, #tpu.memory_space<hbm>>
        %dma_wait3A_612 = arith.constant 0 : i32
        %dma_wait3A_613 = arith.constant 0 : i32
        %dma_wait3A_614 = tpu.memref_slice %arg7[%dma_wait3A_604, %dma_wait3A_612, %dma_wait3A_613] : memref<4x80x128xf32, #tpu.memory_space<vmem>> -> memref<1x80x128xf32, #tpu.memory_space<vmem>>
        %dma_wait3A_615 = tpu.memref_squeeze %dma_wait3A_614 : memref<1x80x128xf32, #tpu.memory_space<vmem>> -> memref<80x128xf32, #tpu.memory_space<vmem>>
        %dma_wait3A_616 = arith.constant 0 : i32
        %dma_wait3A_617 = arith.constant 0 : i32
        %dma_wait3A_618 = tpu.memref_slice %arg2[%dma_wait3A_616, %dma_wait3A_617] : memref<10000x128xf32, #tpu.memory_space<hbm>> -> memref<80x128xf32, #tpu.memory_space<hbm>>
        tpu.wait_dma2 semaphore(%arg16 : memref<!tpu.dma_semaphore, #tpu.memory_space<semaphore_mem>>) src(%dma_wait3A_618 : memref<80x128xf32, #tpu.memory_space<hbm>>) dst(%dma_wait3A_615 : memref<80x128xf32, #tpu.memory_space<vmem>>)
        %add3A_619 = arith.addi %add3A_9, %add3A_591 : i32
        %mul3A_620 = arith.constant 80 : i32
        %mul3A_621 = arith.muli %add3A_619, %mul3A_620 : i32
        %add3A_622 = arith.constant 320000 : i32
        %add3A_623 = arith.addi %add3A_622, %mul3A_621 : i32
        %dma_start3A_624 = arith.constant 2 : i32
        %dma_start3A_625 = arith.constant 0 : i32
        %dma_start3A_626 = tpu.memref_slice %arg6[%dma_start3A_624, %dma_start3A_625] : memref<4x80xi32, #tpu.memory_space<vmem>> -> memref<1x80xi32, #tpu.memory_space<vmem>>
        %dma_start3A_627 = tpu.memref_squeeze %dma_start3A_626 : memref<1x80xi32, #tpu.memory_space<vmem>> -> memref<80xi32, #tpu.memory_space<vmem>>
        %dma_start3A_628 = tpu.memref_slice %arg3[%add3A_623] : memref<640000xi32, #tpu.memory_space<hbm>> -> memref<80xi32, #tpu.memory_space<hbm>>
        %dma_start3A_629 = arith.constant 0 : i32
        %dma_start3A_630 = tpu.memref_slice %arg6[%dma_start3A_624, %dma_start3A_629] : memref<4x80xi32, #tpu.memory_space<vmem>> -> memref<1x80xi32, #tpu.memory_space<vmem>>
        %dma_start3A_631 = tpu.memref_squeeze %dma_start3A_630 : memref<1x80xi32, #tpu.memory_space<vmem>> -> memref<80xi32, #tpu.memory_space<vmem>>
        %dma_start3A_632 = tpu.memref_slice %arg3[%add3A_623] : memref<640000xi32, #tpu.memory_space<hbm>> -> memref<80xi32, #tpu.memory_space<hbm>>
        tpu.enqueue_dma source(%dma_start3A_632 : memref<80xi32, #tpu.memory_space<hbm>>) target(%dma_start3A_631 : memref<80xi32, #tpu.memory_space<vmem>>) target_semaphore(%arg24 : memref<!tpu.dma_semaphore, #tpu.memory_space<semaphore_mem>>)
        %dma_wait3A_633 = arith.constant 2 : i32
        %dma_wait3A_634 = arith.constant 0 : i32
        %dma_wait3A_635 = tpu.memref_slice %arg5[%dma_wait3A_633, %dma_wait3A_634] : memref<4x80xi32, #tpu.memory_space<vmem>> -> memref<1x80xi32, #tpu.memory_space<vmem>>
        %dma_wait3A_636 = tpu.memref_squeeze %dma_wait3A_635 : memref<1x80xi32, #tpu.memory_space<vmem>> -> memref<80xi32, #tpu.memory_space<vmem>>
        %dma_wait3A_637 = arith.constant 0 : i32
        %dma_wait3A_638 = tpu.memref_slice %arg3[%dma_wait3A_637] : memref<640000xi32, #tpu.memory_space<hbm>> -> memref<80xi32, #tpu.memory_space<hbm>>
        %dma_wait3A_639 = arith.constant 0 : i32
        %dma_wait3A_640 = tpu.memref_slice %arg5[%dma_wait3A_633, %dma_wait3A_639] : memref<4x80xi32, #tpu.memory_space<vmem>> -> memref<1x80xi32, #tpu.memory_space<vmem>>
        %dma_wait3A_641 = tpu.memref_squeeze %dma_wait3A_640 : memref<1x80xi32, #tpu.memory_space<vmem>> -> memref<80xi32, #tpu.memory_space<vmem>>
        %dma_wait3A_642 = arith.constant 0 : i32
        %dma_wait3A_643 = tpu.memref_slice %arg3[%dma_wait3A_642] : memref<640000xi32, #tpu.memory_space<hbm>> -> memref<80xi32, #tpu.memory_space<hbm>>
        tpu.wait_dma2 semaphore(%arg20 : memref<!tpu.dma_semaphore, #tpu.memory_space<semaphore_mem>>) src(%dma_wait3A_643 : memref<80xi32, #tpu.memory_space<hbm>>) dst(%dma_wait3A_641 : memref<80xi32, #tpu.memory_space<vmem>>)
        %dma_start3A_644 = arith.constant 2 : i32
        %dma_start3A_645 = arith.constant 2 : i32
        %dma_start3A_646 = arith.constant 0 : i32
        %dma_start3A_647 = arith.constant 0 : i32
        %dma_start3A_648 = tpu.memref_slice %arg7[%dma_start3A_645, %dma_start3A_646, %dma_start3A_647] : memref<4x80x128xf32, #tpu.memory_space<vmem>> -> memref<1x80x128xf32, #tpu.memory_space<vmem>>
        %dma_start3A_649 = tpu.memref_squeeze %dma_start3A_648 : memref<1x80x128xf32, #tpu.memory_space<vmem>> -> memref<80x128xf32, #tpu.memory_space<vmem>>
        %dma_start3A_650 = arith.constant 0 : i32
        %dma_start3A_651 = tpu.memref_slice %arg5[%dma_start3A_644, %dma_start3A_650] : memref<4x80xi32, #tpu.memory_space<vmem>> -> memref<1x80xi32, #tpu.memory_space<vmem>>
        %dma_start3A_652 = tpu.memref_squeeze %dma_start3A_651 : memref<1x80xi32, #tpu.memory_space<vmem>> -> memref<80xi32, #tpu.memory_space<vmem>>
        %dma_start3A_653 = arith.constant 0 : i32
        %dma_start3A_654 = arith.constant 0 : i32
        %dma_start3A_655 = tpu.memref_slice %arg2[%dma_start3A_653, %dma_start3A_654] : memref<10000x128xf32, #tpu.memory_space<hbm>> -> memref<10000x128xf32, #tpu.memory_space<hbm>>
        tpu.enqueue_indirect_dma source(%dma_start3A_655 : memref<10000x128xf32, #tpu.memory_space<hbm>>) target(%dma_start3A_649 : memref<80x128xf32, #tpu.memory_space<vmem>>) offsets(%dma_start3A_652 : memref<80xi32, #tpu.memory_space<vmem>>) semaphore(%arg12 : memref<!tpu.dma_semaphore, #tpu.memory_space<semaphore_mem>>)
      } else {
      }
      %add3A_596 = arith.constant 4 : i32
      %add3A_597 = arith.addi %add3A_547, %add3A_596 : i32
      %add3A_598 = arith.constant 3 : i32
      %add3A_599 = arith.addi %add3A_597, %add3A_598 : i32
      %lt3A_600 = arith.cmpi slt, %add3A_599, %add3A_5 : i32
      %convert_element_type3A_601 = arith.extui %lt3A_600 : i1 to i32
      %cond3A_602 = arith.constant 0 : i32
      %cond3A_603 = arith.cmpi ne, %convert_element_type3A_601, %cond3A_602 : i32
      scf.if %cond3A_603 {
        %dma_wait3A_604 = arith.constant 3 : i32
        %dma_wait3A_605 = arith.constant 0 : i32
        %dma_wait3A_606 = arith.constant 0 : i32
        %dma_wait3A_607 = tpu.memref_slice %arg7[%dma_wait3A_604, %dma_wait3A_605, %dma_wait3A_606] : memref<4x80x128xf32, #tpu.memory_space<vmem>> -> memref<1x80x128xf32, #tpu.memory_space<vmem>>
        %dma_wait3A_608 = tpu.memref_squeeze %dma_wait3A_607 : memref<1x80x128xf32, #tpu.memory_space<vmem>> -> memref<80x128xf32, #tpu.memory_space<vmem>>
        %dma_wait3A_609 = arith.constant 0 : i32
        %dma_wait3A_610 = arith.constant 0 : i32
        %dma_wait3A_611 = tpu.memref_slice %arg2[%dma_wait3A_609, %dma_wait3A_610] : memref<10000x128xf32, #tpu.memory_space<hbm>> -> memref<80x128xf32, #tpu.memory_space<hbm>>
        %dma_wait3A_612 = arith.constant 0 : i32
        %dma_wait3A_613 = arith.constant 0 : i32
        %dma_wait3A_614 = tpu.memref_slice %arg7[%dma_wait3A_604, %dma_wait3A_612, %dma_wait3A_613] : memref<4x80x128xf32, #tpu.memory_space<vmem>> -> memref<1x80x128xf32, #tpu.memory_space<vmem>>
        %dma_wait3A_615 = tpu.memref_squeeze %dma_wait3A_614 : memref<1x80x128xf32, #tpu.memory_space<vmem>> -> memref<80x128xf32, #tpu.memory_space<vmem>>
        %dma_wait3A_616 = arith.constant 0 : i32
        %dma_wait3A_617 = arith.constant 0 : i32
        %dma_wait3A_618 = tpu.memref_slice %arg2[%dma_wait3A_616, %dma_wait3A_617] : memref<10000x128xf32, #tpu.memory_space<hbm>> -> memref<80x128xf32, #tpu.memory_space<hbm>>
        tpu.wait_dma2 semaphore(%arg17 : memref<!tpu.dma_semaphore, #tpu.memory_space<semaphore_mem>>) src(%dma_wait3A_618 : memref<80x128xf32, #tpu.memory_space<hbm>>) dst(%dma_wait3A_615 : memref<80x128xf32, #tpu.memory_space<vmem>>)
        %add3A_619 = arith.addi %add3A_9, %add3A_599 : i32
        %mul3A_620 = arith.constant 80 : i32
        %mul3A_621 = arith.muli %add3A_619, %mul3A_620 : i32
        %add3A_622 = arith.constant 320000 : i32
        %add3A_623 = arith.addi %add3A_622, %mul3A_621 : i32
        %dma_start3A_624 = arith.constant 3 : i32
        %dma_start3A_625 = arith.constant 0 : i32
        %dma_start3A_626 = tpu.memref_slice %arg6[%dma_start3A_624, %dma_start3A_625] : memref<4x80xi32, #tpu.memory_space<vmem>> -> memref<1x80xi32, #tpu.memory_space<vmem>>
        %dma_start3A_627 = tpu.memref_squeeze %dma_start3A_626 : memref<1x80xi32, #tpu.memory_space<vmem>> -> memref<80xi32, #tpu.memory_space<vmem>>
        %dma_start3A_628 = tpu.memref_slice %arg3[%add3A_623] : memref<640000xi32, #tpu.memory_space<hbm>> -> memref<80xi32, #tpu.memory_space<hbm>>
        %dma_start3A_629 = arith.constant 0 : i32
        %dma_start3A_630 = tpu.memref_slice %arg6[%dma_start3A_624, %dma_start3A_629] : memref<4x80xi32, #tpu.memory_space<vmem>> -> memref<1x80xi32, #tpu.memory_space<vmem>>
        %dma_start3A_631 = tpu.memref_squeeze %dma_start3A_630 : memref<1x80xi32, #tpu.memory_space<vmem>> -> memref<80xi32, #tpu.memory_space<vmem>>
        %dma_start3A_632 = tpu.memref_slice %arg3[%add3A_623] : memref<640000xi32, #tpu.memory_space<hbm>> -> memref<80xi32, #tpu.memory_space<hbm>>
        tpu.enqueue_dma source(%dma_start3A_632 : memref<80xi32, #tpu.memory_space<hbm>>) target(%dma_start3A_631 : memref<80xi32, #tpu.memory_space<vmem>>) target_semaphore(%arg25 : memref<!tpu.dma_semaphore, #tpu.memory_space<semaphore_mem>>)
        %dma_wait3A_633 = arith.constant 3 : i32
        %dma_wait3A_634 = arith.constant 0 : i32
        %dma_wait3A_635 = tpu.memref_slice %arg5[%dma_wait3A_633, %dma_wait3A_634] : memref<4x80xi32, #tpu.memory_space<vmem>> -> memref<1x80xi32, #tpu.memory_space<vmem>>
        %dma_wait3A_636 = tpu.memref_squeeze %dma_wait3A_635 : memref<1x80xi32, #tpu.memory_space<vmem>> -> memref<80xi32, #tpu.memory_space<vmem>>
        %dma_wait3A_637 = arith.constant 0 : i32
        %dma_wait3A_638 = tpu.memref_slice %arg3[%dma_wait3A_637] : memref<640000xi32, #tpu.memory_space<hbm>> -> memref<80xi32, #tpu.memory_space<hbm>>
        %dma_wait3A_639 = arith.constant 0 : i32
        %dma_wait3A_640 = tpu.memref_slice %arg5[%dma_wait3A_633, %dma_wait3A_639] : memref<4x80xi32, #tpu.memory_space<vmem>> -> memref<1x80xi32, #tpu.memory_space<vmem>>
        %dma_wait3A_641 = tpu.memref_squeeze %dma_wait3A_640 : memref<1x80xi32, #tpu.memory_space<vmem>> -> memref<80xi32, #tpu.memory_space<vmem>>
        %dma_wait3A_642 = arith.constant 0 : i32
        %dma_wait3A_643 = tpu.memref_slice %arg3[%dma_wait3A_642] : memref<640000xi32, #tpu.memory_space<hbm>> -> memref<80xi32, #tpu.memory_space<hbm>>
        tpu.wait_dma2 semaphore(%arg21 : memref<!tpu.dma_semaphore, #tpu.memory_space<semaphore_mem>>) src(%dma_wait3A_643 : memref<80xi32, #tpu.memory_space<hbm>>) dst(%dma_wait3A_641 : memref<80xi32, #tpu.memory_space<vmem>>)
        %dma_start3A_644 = arith.constant 3 : i32
        %dma_start3A_645 = arith.constant 3 : i32
        %dma_start3A_646 = arith.constant 0 : i32
        %dma_start3A_647 = arith.constant 0 : i32
        %dma_start3A_648 = tpu.memref_slice %arg7[%dma_start3A_645, %dma_start3A_646, %dma_start3A_647] : memref<4x80x128xf32, #tpu.memory_space<vmem>> -> memref<1x80x128xf32, #tpu.memory_space<vmem>>
        %dma_start3A_649 = tpu.memref_squeeze %dma_start3A_648 : memref<1x80x128xf32, #tpu.memory_space<vmem>> -> memref<80x128xf32, #tpu.memory_space<vmem>>
        %dma_start3A_650 = arith.constant 0 : i32
        %dma_start3A_651 = tpu.memref_slice %arg5[%dma_start3A_644, %dma_start3A_650] : memref<4x80xi32, #tpu.memory_space<vmem>> -> memref<1x80xi32, #tpu.memory_space<vmem>>
        %dma_start3A_652 = tpu.memref_squeeze %dma_start3A_651 : memref<1x80xi32, #tpu.memory_space<vmem>> -> memref<80xi32, #tpu.memory_space<vmem>>
        %dma_start3A_653 = arith.constant 0 : i32
        %dma_start3A_654 = arith.constant 0 : i32
        %dma_start3A_655 = tpu.memref_slice %arg2[%dma_start3A_653, %dma_start3A_654] : memref<10000x128xf32, #tpu.memory_space<hbm>> -> memref<10000x128xf32, #tpu.memory_space<hbm>>
        tpu.enqueue_indirect_dma source(%dma_start3A_655 : memref<10000x128xf32, #tpu.memory_space<hbm>>) target(%dma_start3A_649 : memref<80x128xf32, #tpu.memory_space<vmem>>) offsets(%dma_start3A_652 : memref<80xi32, #tpu.memory_space<vmem>>) semaphore(%arg13 : memref<!tpu.dma_semaphore, #tpu.memory_space<semaphore_mem>>)
      } else {
      }
    }
    %scan3A_473 = arith.constant 32 : i32
    %dma_wait3A_474 = arith.constant 0 : i32
    %dma_wait3A_475 = arith.constant 0 : i32
    %dma_wait3A_476 = arith.constant 0 : i32
    %dma_wait3A_477 = tpu.memref_slice %arg7[%dma_wait3A_474, %dma_wait3A_475, %dma_wait3A_476] : memref<4x80x128xf32, #tpu.memory_space<vmem>> -> memref<1x80x128xf32, #tpu.memory_space<vmem>>
    %dma_wait3A_478 = tpu.memref_squeeze %dma_wait3A_477 : memref<1x80x128xf32, #tpu.memory_space<vmem>> -> memref<80x128xf32, #tpu.memory_space<vmem>>
    %dma_wait3A_479 = arith.constant 0 : i32
    %dma_wait3A_480 = arith.constant 0 : i32
    %dma_wait3A_481 = tpu.memref_slice %arg2[%dma_wait3A_479, %dma_wait3A_480] : memref<10000x128xf32, #tpu.memory_space<hbm>> -> memref<80x128xf32, #tpu.memory_space<hbm>>
    %dma_wait3A_482 = arith.constant 0 : i32
    %dma_wait3A_483 = arith.constant 0 : i32
    %dma_wait3A_484 = tpu.memref_slice %arg7[%dma_wait3A_474, %dma_wait3A_482, %dma_wait3A_483] : memref<4x80x128xf32, #tpu.memory_space<vmem>> -> memref<1x80x128xf32, #tpu.memory_space<vmem>>
    %dma_wait3A_485 = tpu.memref_squeeze %dma_wait3A_484 : memref<1x80x128xf32, #tpu.memory_space<vmem>> -> memref<80x128xf32, #tpu.memory_space<vmem>>
    %dma_wait3A_486 = arith.constant 0 : i32
    %dma_wait3A_487 = arith.constant 0 : i32
    %dma_wait3A_488 = tpu.memref_slice %arg2[%dma_wait3A_486, %dma_wait3A_487] : memref<10000x128xf32, #tpu.memory_space<hbm>> -> memref<80x128xf32, #tpu.memory_space<hbm>>
    tpu.wait_dma2 semaphore(%arg14 : memref<!tpu.dma_semaphore, #tpu.memory_space<semaphore_mem>>) src(%dma_wait3A_488 : memref<80x128xf32, #tpu.memory_space<hbm>>) dst(%dma_wait3A_485 : memref<80x128xf32, #tpu.memory_space<vmem>>)
    %dma_wait3A_489 = arith.constant 1 : i32
    %dma_wait3A_490 = arith.constant 0 : i32
    %dma_wait3A_491 = arith.constant 0 : i32
    %dma_wait3A_492 = tpu.memref_slice %arg7[%dma_wait3A_489, %dma_wait3A_490, %dma_wait3A_491] : memref<4x80x128xf32, #tpu.memory_space<vmem>> -> memref<1x80x128xf32, #tpu.memory_space<vmem>>
    %dma_wait3A_493 = tpu.memref_squeeze %dma_wait3A_492 : memref<1x80x128xf32, #tpu.memory_space<vmem>> -> memref<80x128xf32, #tpu.memory_space<vmem>>
    %dma_wait3A_494 = arith.constant 0 : i32
    %dma_wait3A_495 = arith.constant 0 : i32
    %dma_wait3A_496 = tpu.memref_slice %arg2[%dma_wait3A_494, %dma_wait3A_495] : memref<10000x128xf32, #tpu.memory_space<hbm>> -> memref<80x128xf32, #tpu.memory_space<hbm>>
    %dma_wait3A_497 = arith.constant 0 : i32
    %dma_wait3A_498 = arith.constant 0 : i32
    %dma_wait3A_499 = tpu.memref_slice %arg7[%dma_wait3A_489, %dma_wait3A_497, %dma_wait3A_498] : memref<4x80x128xf32, #tpu.memory_space<vmem>> -> memref<1x80x128xf32, #tpu.memory_space<vmem>>
    %dma_wait3A_500 = tpu.memref_squeeze %dma_wait3A_499 : memref<1x80x128xf32, #tpu.memory_space<vmem>> -> memref<80x128xf32, #tpu.memory_space<vmem>>
    %dma_wait3A_501 = arith.constant 0 : i32
    %dma_wait3A_502 = arith.constant 0 : i32
    %dma_wait3A_503 = tpu.memref_slice %arg2[%dma_wait3A_501, %dma_wait3A_502] : memref<10000x128xf32, #tpu.memory_space<hbm>> -> memref<80x128xf32, #tpu.memory_space<hbm>>
    tpu.wait_dma2 semaphore(%arg15 : memref<!tpu.dma_semaphore, #tpu.memory_space<semaphore_mem>>) src(%dma_wait3A_503 : memref<80x128xf32, #tpu.memory_space<hbm>>) dst(%dma_wait3A_500 : memref<80x128xf32, #tpu.memory_space<vmem>>)
    %dma_wait3A_504 = arith.constant 2 : i32
    %dma_wait3A_505 = arith.constant 0 : i32
    %dma_wait3A_506 = arith.constant 0 : i32
    %dma_wait3A_507 = tpu.memref_slice %arg7[%dma_wait3A_504, %dma_wait3A_505, %dma_wait3A_506] : memref<4x80x128xf32, #tpu.memory_space<vmem>> -> memref<1x80x128xf32, #tpu.memory_space<vmem>>
    %dma_wait3A_508 = tpu.memref_squeeze %dma_wait3A_507 : memref<1x80x128xf32, #tpu.memory_space<vmem>> -> memref<80x128xf32, #tpu.memory_space<vmem>>
    %dma_wait3A_509 = arith.constant 0 : i32
    %dma_wait3A_510 = arith.constant 0 : i32
    %dma_wait3A_511 = tpu.memref_slice %arg2[%dma_wait3A_509, %dma_wait3A_510] : memref<10000x128xf32, #tpu.memory_space<hbm>> -> memref<80x128xf32, #tpu.memory_space<hbm>>
    %dma_wait3A_512 = arith.constant 0 : i32
    %dma_wait3A_513 = arith.constant 0 : i32
    %dma_wait3A_514 = tpu.memref_slice %arg7[%dma_wait3A_504, %dma_wait3A_512, %dma_wait3A_513] : memref<4x80x128xf32, #tpu.memory_space<vmem>> -> memref<1x80x128xf32, #tpu.memory_space<vmem>>
    %dma_wait3A_515 = tpu.memref_squeeze %dma_wait3A_514 : memref<1x80x128xf32, #tpu.memory_space<vmem>> -> memref<80x128xf32, #tpu.memory_space<vmem>>
    %dma_wait3A_516 = arith.constant 0 : i32
    %dma_wait3A_517 = arith.constant 0 : i32
    %dma_wait3A_518 = tpu.memref_slice %arg2[%dma_wait3A_516, %dma_wait3A_517] : memref<10000x128xf32, #tpu.memory_space<hbm>> -> memref<80x128xf32, #tpu.memory_space<hbm>>
    tpu.wait_dma2 semaphore(%arg16 : memref<!tpu.dma_semaphore, #tpu.memory_space<semaphore_mem>>) src(%dma_wait3A_518 : memref<80x128xf32, #tpu.memory_space<hbm>>) dst(%dma_wait3A_515 : memref<80x128xf32, #tpu.memory_space<vmem>>)
    %dma_wait3A_519 = arith.constant 3 : i32
    %dma_wait3A_520 = arith.constant 0 : i32
    %dma_wait3A_521 = arith.constant 0 : i32
    %dma_wait3A_522 = tpu.memref_slice %arg7[%dma_wait3A_519, %dma_wait3A_520, %dma_wait3A_521] : memref<4x80x128xf32, #tpu.memory_space<vmem>> -> memref<1x80x128xf32, #tpu.memory_space<vmem>>
    %dma_wait3A_523 = tpu.memref_squeeze %dma_wait3A_522 : memref<1x80x128xf32, #tpu.memory_space<vmem>> -> memref<80x128xf32, #tpu.memory_space<vmem>>
    %dma_wait3A_524 = arith.constant 0 : i32
    %dma_wait3A_525 = arith.constant 0 : i32
    %dma_wait3A_526 = tpu.memref_slice %arg2[%dma_wait3A_524, %dma_wait3A_525] : memref<10000x128xf32, #tpu.memory_space<hbm>> -> memref<80x128xf32, #tpu.memory_space<hbm>>
    %dma_wait3A_527 = arith.constant 0 : i32
    %dma_wait3A_528 = arith.constant 0 : i32
    %dma_wait3A_529 = tpu.memref_slice %arg7[%dma_wait3A_519, %dma_wait3A_527, %dma_wait3A_528] : memref<4x80x128xf32, #tpu.memory_space<vmem>> -> memref<1x80x128xf32, #tpu.memory_space<vmem>>
    %dma_wait3A_530 = tpu.memref_squeeze %dma_wait3A_529 : memref<1x80x128xf32, #tpu.memory_space<vmem>> -> memref<80x128xf32, #tpu.memory_space<vmem>>
    %dma_wait3A_531 = arith.constant 0 : i32
    %dma_wait3A_532 = arith.constant 0 : i32
    %dma_wait3A_533 = tpu.memref_slice %arg2[%dma_wait3A_531, %dma_wait3A_532] : memref<10000x128xf32, #tpu.memory_space<hbm>> -> memref<80x128xf32, #tpu.memory_space<hbm>>
    tpu.wait_dma2 semaphore(%arg17 : memref<!tpu.dma_semaphore, #tpu.memory_space<semaphore_mem>>) src(%dma_wait3A_533 : memref<80x128xf32, #tpu.memory_space<hbm>>) dst(%dma_wait3A_530 : memref<80x128xf32, #tpu.memory_space<vmem>>)
    %barrier3A_534 = arith.constant 0 : index
    tpu.barrier barrier_id(%barrier3A_534)
    %lt3A_535 = arith.constant 15 : i32
    %lt3A_536 = arith.cmpi slt, %arg1, %lt3A_535 : i32
    %convert_element_type3A_537 = arith.extui %lt3A_536 : i1 to i32
    %cond3A = arith.constant 0 : i32
    %cond3A_538 = arith.cmpi ne, %convert_element_type3A_537, %cond3A : i32
    scf.if %cond3A_538 {
      "tpu.region"() ({
        %run_scoped3A = tpu.sem_alloc : memref<!tpu.dma_semaphore, #tpu.memory_space<semaphore_mem>>
        %dma_start3A_543 = arith.constant 0 : i32
        %dma_start3A_544 = tpu.memref_slice %arg4[%arg0, %mul3A_2, %dma_start3A_543] : memref<2x10000x128xf32, #tpu.memory_space<hbm>> -> memref<1x632x128xf32, #tpu.memory_space<hbm>>
        %dma_start3A_545 = tpu.memref_squeeze %dma_start3A_544 : memref<1x632x128xf32, #tpu.memory_space<hbm>> -> memref<632x128xf32, #tpu.memory_space<hbm>>
        %dma_start3A_546 = arith.constant 0 : i32
        %dma_start3A_547 = tpu.memref_slice %arg9[%mul3A_2, %dma_start3A_546] : memref<10112x128xf32, #tpu.memory_space<vmem_shared>> -> memref<632x128xf32, #tpu.memory_space<vmem_shared>>
        tpu.enqueue_dma source(%dma_start3A_547 : memref<632x128xf32, #tpu.memory_space<vmem_shared>>) target(%dma_start3A_545 : memref<632x128xf32, #tpu.memory_space<hbm>>) target_semaphore(%run_scoped3A : memref<!tpu.dma_semaphore, #tpu.memory_space<semaphore_mem>>)
        %dma_wait3A_548 = arith.constant 0 : i32
        %dma_wait3A_549 = tpu.memref_slice %arg4[%arg0, %mul3A_2, %dma_wait3A_548] : memref<2x10000x128xf32, #tpu.memory_space<hbm>> -> memref<1x632x128xf32, #tpu.memory_space<hbm>>
        %dma_wait3A_550 = tpu.memref_squeeze %dma_wait3A_549 : memref<1x632x128xf32, #tpu.memory_space<hbm>> -> memref<632x128xf32, #tpu.memory_space<hbm>>
        %dma_wait3A_551 = arith.constant 0 : i32
        %dma_wait3A_552 = tpu.memref_slice %arg9[%mul3A_2, %dma_wait3A_551] : memref<10112x128xf32, #tpu.memory_space<vmem_shared>> -> memref<632x128xf32, #tpu.memory_space<vmem_shared>>
        tpu.wait_dma2 semaphore(%run_scoped3A : memref<!tpu.dma_semaphore, #tpu.memory_space<semaphore_mem>>) src(%dma_wait3A_552 : memref<632x128xf32, #tpu.memory_space<vmem_shared>>) dst(%dma_wait3A_550 : memref<632x128xf32, #tpu.memory_space<hbm>>)
        tpu.yield
      }) : () -> ()
    } else {
    }
    %eq3A = arith.constant 15 : i32
    %eq3A_539 = arith.cmpi eq, %arg1, %eq3A : i32
    %convert_element_type3A_540 = arith.extui %eq3A_539 : i1 to i32
    %cond3A_541 = arith.constant 0 : i32
    %cond3A_542 = arith.cmpi ne, %convert_element_type3A_540, %cond3A_541 : i32
    scf.if %cond3A_542 {
      "tpu.region"() ({
        %run_scoped3A = tpu.sem_alloc : memref<!tpu.dma_semaphore, #tpu.memory_space<semaphore_mem>>
        %dma_start3A_543 = arith.constant 0 : i32
        %dma_start3A_544 = tpu.memref_slice %arg4[%arg0, %mul3A_2, %dma_start3A_543] : memref<2x10000x128xf32, #tpu.memory_space<hbm>> -> memref<1x520x128xf32, #tpu.memory_space<hbm>>
        %dma_start3A_545 = tpu.memref_squeeze %dma_start3A_544 : memref<1x520x128xf32, #tpu.memory_space<hbm>> -> memref<520x128xf32, #tpu.memory_space<hbm>>
        %dma_start3A_546 = arith.constant 0 : i32
        %dma_start3A_547 = tpu.memref_slice %arg9[%mul3A_2, %dma_start3A_546] : memref<10112x128xf32, #tpu.memory_space<vmem_shared>> -> memref<520x128xf32, #tpu.memory_space<vmem_shared>>
        tpu.enqueue_dma source(%dma_start3A_547 : memref<520x128xf32, #tpu.memory_space<vmem_shared>>) target(%dma_start3A_545 : memref<520x128xf32, #tpu.memory_space<hbm>>) target_semaphore(%run_scoped3A : memref<!tpu.dma_semaphore, #tpu.memory_space<semaphore_mem>>)
        %dma_wait3A_548 = arith.constant 0 : i32
        %dma_wait3A_549 = tpu.memref_slice %arg4[%arg0, %mul3A_2, %dma_wait3A_548] : memref<2x10000x128xf32, #tpu.memory_space<hbm>> -> memref<1x520x128xf32, #tpu.memory_space<hbm>>
        %dma_wait3A_550 = tpu.memref_squeeze %dma_wait3A_549 : memref<1x520x128xf32, #tpu.memory_space<hbm>> -> memref<520x128xf32, #tpu.memory_space<hbm>>
        %dma_wait3A_551 = arith.constant 0 : i32
        %dma_wait3A_552 = tpu.memref_slice %arg9[%mul3A_2, %dma_wait3A_551] : memref<10112x128xf32, #tpu.memory_space<vmem_shared>> -> memref<520x128xf32, #tpu.memory_space<vmem_shared>>
        tpu.wait_dma2 semaphore(%run_scoped3A : memref<!tpu.dma_semaphore, #tpu.memory_space<semaphore_mem>>) src(%dma_wait3A_552 : memref<520x128xf32, #tpu.memory_space<vmem_shared>>) dst(%dma_wait3A_550 : memref<520x128xf32, #tpu.memory_space<hbm>>)
        tpu.yield
      }) : () -> ()
    } else {
    }
    return
  }
}

module attributes {stable_mosaic.version = 14 : i64} {
  func.func @_tc_pre_body(%arg0: i32, %arg1: memref<2000x128xf32, #tpu.memory_space<vmem>>, %arg2: memref<128x128xf32, #tpu.memory_space<vmem>>, %arg3: memref<1x128xf32, #tpu.memory_space<vmem>>, %arg4: memref<2000x128xf32, #tpu.memory_space<vmem>>) attributes {dimension_semantics = [#tpu.dimension_semantics<arbitrary>], iteration_bounds = array<i64: 5>, scalar_prefetch = 0 : i64, scratch_operands = 0 : i64, tpu.core_type = #tpu.core_type<tc>, window_params = [{transform_indices = @transform_0, window_bounds = array<i64: 2000, 128>}, {pipeline_mode = #tpu.pipeline_mode<synchronous>, transform_indices = @transform_1, window_bounds = array<i64: 128, 128>}, {pipeline_mode = #tpu.pipeline_mode<synchronous>, transform_indices = @transform_2, window_bounds = array<i64: 1, 128>}, {transform_indices = @transform_3, window_bounds = array<i64: 2000, 128>}]} {
    %get3A = arith.constant 0 : index
    %get3A_0 = arith.constant 0 : index
    %get3A_1 = vector.load %arg1[%get3A, %get3A_0] : memref<2000x128xf32, #tpu.memory_space<vmem>>, vector<2000x128xf32>
    %get3A_2 = arith.constant 0 : index
    %get3A_3 = arith.constant 0 : index
    %get3A_4 = vector.load %arg2[%get3A_2, %get3A_3] : memref<128x128xf32, #tpu.memory_space<vmem>>, vector<128x128xf32>
    %dot_general3A = arith.constant dense<0.000000e+00> : vector<2000x128xf32>
    %dot_general3A_5 = tpu.matmul %get3A_1, %get3A_4, %dot_general3A {dimension_numbers = #tpu.dot_dimension_numbers<[1], [0], [0], [1], [0, 0, 1, 1], [], []>, precision = #tpu.contract_precision<fp32>, transpose_lhs_hint = false} : vector<2000x128xf32>, vector<128x128xf32>, vector<2000x128xf32> -> vector<2000x128xf32>
    %get3A_6 = arith.constant 0 : index
    %get3A_7 = arith.constant 0 : index
    %get3A_8 = vector.load %arg3[%get3A_6, %get3A_7] : memref<1x128xf32, #tpu.memory_space<vmem>>, vector<1x128xf32>
    %add3A = vector.broadcast %get3A_8 : vector<1x128xf32> to vector<2000x128xf32>
    %add3A_9 = arith.addf %dot_general3A_5, %add3A : vector<2000x128xf32>
    %swap3A = arith.constant 0 : index
    %swap3A_10 = arith.constant 0 : index
    %swap3A_11 = vector.load %arg4[%swap3A, %swap3A_10] : memref<2000x128xf32, #tpu.memory_space<vmem>>, vector<2000x128xf32>
    tpu.vector_store %arg4[%swap3A, %swap3A_10], %add3A_9 {strides = array<i32>} : memref<2000x128xf32, #tpu.memory_space<vmem>>, vector<2000x128xf32>,
    return
  }
  func.func @transform_0(%arg0: i32) -> (i32, i32) {
    %c0_i32 = arith.constant 0 : i32
    %c0_i32_0 = arith.constant 0 : i32
    return %arg0, %c0_i32 : i32, i32
  }
  func.func @transform_1(%arg0: i32) -> (i32, i32) {
    %c0_i32 = arith.constant 0 : i32
    %c0_i32_0 = arith.constant 0 : i32
    %c0_i32_1 = arith.constant 0 : i32
    return %c0_i32, %c0_i32_0 : i32, i32
  }
  func.func @transform_2(%arg0: i32) -> (i32, i32) {
    %c0_i32 = arith.constant 0 : i32
    %c0_i32_0 = arith.constant 0 : i32
    %c0_i32_1 = arith.constant 0 : i32
    return %c0_i32, %c0_i32_0 : i32, i32
  }
  func.func @transform_3(%arg0: i32) -> (i32, i32) {
    %c0_i32 = arith.constant 0 : i32
    %c0_i32_0 = arith.constant 0 : i32
    return %arg0, %c0_i32 : i32, i32
  }
}

module attributes {stable_mosaic.version = 14 : i64} {
  func.func @_tc_post_body(%arg0: i32, %arg1: memref<2000x128xf32, #tpu.memory_space<vmem>>, %arg2: memref<1x2000x128xf32, #tpu.memory_space<vmem>>, %arg3: memref<1x2000x128xf32, #tpu.memory_space<vmem>>, %arg4: memref<2000x1xf32, #tpu.memory_space<vmem>>, %arg5: memref<128x128xf32, #tpu.memory_space<vmem>>, %arg6: memref<2000x128xf32, #tpu.memory_space<vmem>>) attributes {dimension_semantics = [#tpu.dimension_semantics<arbitrary>], iteration_bounds = array<i64: 5>, scalar_prefetch = 0 : i64, scratch_operands = 0 : i64, tpu.core_type = #tpu.core_type<tc>, window_params = [{transform_indices = @transform_0, window_bounds = array<i64: 2000, 128>}, {transform_indices = @transform_1, window_bounds = array<i64: 1, 2000, 128>}, {transform_indices = @transform_2, window_bounds = array<i64: 1, 2000, 128>}, {transform_indices = @transform_3, window_bounds = array<i64: 2000, 1>}, {pipeline_mode = #tpu.pipeline_mode<synchronous>, transform_indices = @transform_4, window_bounds = array<i64: 128, 128>}, {transform_indices = @transform_5, window_bounds = array<i64: 2000, 128>}]} {
    %get3A = arith.constant 0 : index
    %get3A_0 = arith.constant 0 : index
    %get3A_1 = arith.constant 0 : index
    %get3A_2 = vector.load %arg2[%get3A, %get3A_0, %get3A_1] : memref<1x2000x128xf32, #tpu.memory_space<vmem>>, vector<1x2000x128xf32>
    %get3A_3 = vector.shape_cast %get3A_2 : vector<1x2000x128xf32> to vector<2000x128xf32>
    %get3A_4 = arith.constant 0 : index
    %get3A_5 = arith.constant 0 : index
    %get3A_6 = arith.constant 0 : index
    %get3A_7 = vector.load %arg3[%get3A_4, %get3A_5, %get3A_6] : memref<1x2000x128xf32, #tpu.memory_space<vmem>>, vector<1x2000x128xf32>
    %get3A_8 = vector.shape_cast %get3A_7 : vector<1x2000x128xf32> to vector<2000x128xf32>
    %add3A = arith.addf %get3A_3, %get3A_8 : vector<2000x128xf32>
    %get3A_9 = arith.constant 0 : index
    %get3A_10 = arith.constant 0 : index
    %get3A_11 = vector.load %arg4[%get3A_9, %get3A_10] : memref<2000x1xf32, #tpu.memory_space<vmem>>, vector<2000x1xf32>
    %div3A = vector.broadcast %get3A_11 : vector<2000x1xf32> to vector<2000x128xf32>
    %div3A_12 = arith.divf %add3A, %div3A : vector<2000x128xf32>
    %get3A_13 = arith.constant 0 : index
    %get3A_14 = arith.constant 0 : index
    %get3A_15 = vector.load %arg1[%get3A_13, %get3A_14] : memref<2000x128xf32, #tpu.memory_space<vmem>>, vector<2000x128xf32>
    %get3A_16 = arith.constant 0 : index
    %get3A_17 = arith.constant 0 : index
    %get3A_18 = vector.load %arg5[%get3A_16, %get3A_17] : memref<128x128xf32, #tpu.memory_space<vmem>>, vector<128x128xf32>
    %dot_general3A = arith.constant dense<0.000000e+00> : vector<2000x128xf32>
    %dot_general3A_19 = tpu.matmul %div3A_12, %get3A_18, %dot_general3A {dimension_numbers = #tpu.dot_dimension_numbers<[1], [0], [0], [1], [0, 0, 1, 1], [], []>, precision = #tpu.contract_precision<fp32>, transpose_lhs_hint = false} : vector<2000x128xf32>, vector<128x128xf32>, vector<2000x128xf32> -> vector<2000x128xf32>
    %add3A_20 = arith.addf %get3A_15, %dot_general3A_19 : vector<2000x128xf32>
    %swap3A = arith.constant 0 : index
    %swap3A_21 = arith.constant 0 : index
    %swap3A_22 = vector.load %arg6[%swap3A, %swap3A_21] : memref<2000x128xf32, #tpu.memory_space<vmem>>, vector<2000x128xf32>
    tpu.vector_store %arg6[%swap3A, %swap3A_21], %add3A_20 {strides = array<i32>} : memref<2000x128xf32, #tpu.memory_space<vmem>>, vector<2000x128xf32>,
    return
  }
  func.func @transform_0(%arg0: i32) -> (i32, i32) {
    %c0_i32 = arith.constant 0 : i32
    %c0_i32_0 = arith.constant 0 : i32
    return %arg0, %c0_i32 : i32, i32
  }
  func.func @transform_1(%arg0: i32) -> (i32, i32, i32) {
    %c0_i32 = arith.constant 0 : i32
    %c0_i32_0 = arith.constant 0 : i32
    %c0_i32_1 = arith.constant 0 : i32
    return %c0_i32, %arg0, %c0_i32_0 : i32, i32, i32
  }
  func.func @transform_2(%arg0: i32) -> (i32, i32, i32) {
    %c1_i32 = arith.constant 1 : i32
    %c0_i32 = arith.constant 0 : i32
    %c0_i32_0 = arith.constant 0 : i32
    return %c1_i32, %arg0, %c0_i32 : i32, i32, i32
  }
  func.func @transform_3(%arg0: i32) -> (i32, i32) {
    %c0_i32 = arith.constant 0 : i32
    %c0_i32_0 = arith.constant 0 : i32
    return %arg0, %c0_i32 : i32, i32
  }
  func.func @transform_4(%arg0: i32) -> (i32, i32) {
    %c0_i32 = arith.constant 0 : i32
    %c0_i32_0 = arith.constant 0 : i32
    %c0_i32_1 = arith.constant 0 : i32
    return %c0_i32, %c0_i32_0 : i32, i32
  }
  func.func @transform_5(%arg0: i32) -> (i32, i32) {
    %c0_i32 = arith.constant 0 : i32
    %c0_i32_0 = arith.constant 0 : i32
    return %arg0, %c0_i32 : i32, i32
  }
}

</mosaic_0001>

<sc_bundles>
// kernel: kernel.5.cloned.1.call-start
scs
__scs_entry_jumppad:
0x0: {  	(pc) =	sbr.rel $0x88, $3  }
0x1: {  	(tag) =	ssettag $0x0;
	lr =	simm.s32 $0x1  }
0x2: {  	[smem:$0x3F9A] =	sst lr;
	_ =	strace $0xD0000000  }
0x3: {  	_ = 	snop  }
0x4: {  	_ = 	snop  }
0x5: {  	_ = 	snop  }
0x6: {  	_ = 	snop  }
0x7: {  	_ = 	snop  }
__scs_overlays_trampoline_lowered:
0x8: {  	[smem:$0x3FA9] =	sst s0  }
0x9: {  	[smem:$0x3FAA] =	sst s1  }
0xa: {  	[smem:$0x3FAB] =	sst s2  }
0xb: {  	[smem:$0x3FAC] =	sst s3  }
0xc: {  	[smem:$0x3FAD] =	sst s4  }
0xd: {  	[smem:$0x3FAE] =	sst s5  }
0xe: {  	[smem:$0x3FAF] =	sst s6  }
0xf: {  	[smem:$0x3FB0] =	sst s7  }
0x10: {  	[smem:$0x3FB1] =	sst s8  }
0x11: {  	[smem:$0x3FB2] =	sst s9;
	s0 =	simm.s32 @!p0 $0x0  }
0x12: {  	s1 =	sld [smem:$0x3F98];
	s0 =	simm.s32 @p0 $0x1  }
0x13: {  	[smem:$0x3FB3] =	sst s0;
	s0 =	simm.s32 @!p1 $0x0  }
0x14: {  	s2 =	sld [smem:$0x3F97];
	s0 =	simm.s32 @p1 $0x1  }
0x15: {  	[smem:$0x3FB4] =	sst s0;
	s0 =	simm.s32 @!p2 $0x0  }
0x16: {  	s3 =	sld [smem:$0x3FDB];
	s0 =	simm.s32 @p2 $0x1  }
0x17: {  	s4 =	simm.s32 $0x1BF5;
	[smem:$0x3FB6] =	sst s0  }
0x18: {  	s0 =	sld [smem:$0x3F99];
	_ =	swait.ge [sflag:s4], $0x0  }
0x19: {  	s7 =	sld [smem:$0x3F9A]  }
0x1a: {  	s8 =	sadd.s32 $0xFFFFE003, lr  }
0x1b: {  	s9 =	sadd.s32 $0xFFFFFEF7, lr;
	s5 =	simm.s32 $0xFFFFFFFF;
	p2 =	slt.u32 s8, $0xFFFFF086  }
0x1c: {  	p1 =	slt.u32 s9, $0xF7A;
	s5 =	simm.s32 @!p2 $0x0  }
0x1d: {  	s5 =	simm.s32 @p1 $0x1;
	p0 =	seq.s32 s7, s2  }
0x1e: {  	s7 =	smul.u32 @!p0 $0xF7A, s2;
	p2 =	seq.s32 @!p0 s5, $0x0  }
0x1f: {  	s9 =	smul.u32 $0xF7A, s1;
	s8 =	simm.s32 @!p0 $0x1BF5;
	p2 =	por !p2, p0  }
0x20: {  	[sflag:s8] =	ssyncset.s32 @!p0 $0xFFFFF086;
	s6 =	sadd.s32 @!p0 s3, s7;
	s7 =	simm.s32 @!p0 $0x108  }
0x21: {  	s3 =	sadd.s32 s3, s9;
	s6 =	sadd.s32 @!p0 $0x88, s6;
	s7 =	simm.s32 @p2 $0x1082  }
0x22: {  	[simem:s7], [sflag:s8] =	dma.local @!p0 [hbm:s6], $0xF7A  }
0x23: {  	s9 =	sor.u32 $0xD0000000, s2;
	s6 =	simm.s32 $0x108;
	_ =	swait.ge @!p0 [sflag:s8], $0x0  }
0x24: {  	s3 =	sadd.s32 $0x88, s3;
	s6 =	simm.s32 @!p1 $0x1082;
	[sflag:s4] =	ssyncset.s32 $0xFFFFF086  }
0x25: {  	[simem:s6], [sflag:s4] =	dma.local [hbm:s3], $0xF7A  }
0x26: {  	[smem:$0x3F9A] =	sst s1;
	(tag) =	ssettag s2;
	_ =	strace s9  }
0x27: {  	s1 =	sld [smem:$0x3FAA]  }
0x28: {  	s2 =	sld [smem:$0x3FAB]  }
0x29: {  	s4 =	sld [smem:$0x3FAD]  }
0x2a: {  	p0 =	seq.s32 s5, $0x0;
	s5 =	sld [smem:$0x3FAE]  }
0x2b: {  	s6 =	sld [smem:$0x3FAF]  }
0x2c: {  	s7 =	sld [smem:$0x3FB0]  }
0x2d: {  	s3 =	simm.s32 $0x108;
	s8 =	sld [smem:$0x3FB1]  }
0x2e: {  	s3 =	simm.s32 @!p0 $0x1082;
	s9 =	sld [smem:$0x3FB2]  }
0x2f: {  	lr =	sadd.s32 s0, s3;
	s0 =	sld [smem:$0x3FA9]  }
0x30: {  	s3 =	sld [smem:$0x3FAC]  }
0x31: {  	[smem:$0x3FB5] =	sst s10  }
0x32: {  	s10 =	sld [smem:$0x3FB3];
	_ =	sdelay $0x3  }
0x33: {  	p0 =	seq.s32 s10, $0x1;
	s10 =	sld [smem:$0x3FB5];
	_ =	sdelay $0x3  }
0x34: {  	[smem:$0x3FB5] =	sst s10  }
0x35: {  	s10 =	sld [smem:$0x3FB4];
	_ =	sdelay $0x3  }
0x36: {  	p1 =	seq.s32 s10, $0x1;
	s10 =	sld [smem:$0x3FB5];
	_ =	sdelay $0x3  }
0x37: {  	[smem:$0x3FB5] =	sst s10  }
0x38: {  	s10 =	sld [smem:$0x3FB6]  }
0x39: {  	_ = 	snop;
	(pc) =	sbr.ind lr, $3  }
0x3a: {  	_ = 	snop  }
0x3b: {  	_ = 	snop  }
0x3c: {  	p2 =	seq.s32 s10, $0x1;
	s10 =	sld [smem:$0x3FB5]  }
0x3d: {  	_ =	shalt  }
0x3e: {  	_ =	shalt  }
0x3f: {  	_ =	shalt  }
0x40: {  	_ =	shalt  }
0x41: {  	_ =	shalt  }
0x42: {  	_ =	shalt  }
0x43: {  	_ =	shalt  }
0x44: {  	_ =	shalt  }
0x45: {  	_ =	shalt  }
0x46: {  	_ =	shalt  }
0x47: {  	_ =	shalt  }
0x48: {  	_ =	shalt  }
0x49: {  	_ =	shalt  }
0x4a: {  	_ =	shalt  }
0x4b: {  	_ =	shalt  }
0x4c: {  	_ =	shalt  }
0x4d: {  	_ =	shalt  }
0x4e: {  	_ =	shalt  }
0x4f: {  	_ =	shalt  }
0x50: {  	_ =	shalt  }
0x51: {  	_ =	shalt  }
0x52: {  	_ =	shalt  }
0x53: {  	_ =	shalt  }
0x54: {  	_ =	shalt  }
0x55: {  	_ =	shalt  }
0x56: {  	_ =	shalt  }
0x57: {  	_ =	shalt  }
0x58: {  	_ =	shalt  }
0x59: {  	_ =	shalt  }
0x5a: {  	_ =	shalt  }
0x5b: {  	_ =	shalt  }
0x5c: {  	_ =	shalt  }
0x5d: {  	_ =	shalt  }
0x5e: {  	_ =	shalt  }
0x5f: {  	_ =	shalt  }
0x60: {  	_ =	shalt  }
0x61: {  	_ =	shalt  }
0x62: {  	_ =	shalt  }
0x63: {  	_ =	shalt  }
0x64: {  	_ =	shalt  }
0x65: {  	_ =	shalt  }
0x66: {  	_ =	shalt  }
0x67: {  	_ =	shalt  }
0x68: {  	_ =	shalt  }
0x69: {  	_ =	shalt  }
0x6a: {  	_ =	shalt  }
0x6b: {  	_ =	shalt  }
0x6c: {  	_ =	shalt  }
0x6d: {  	_ =	shalt  }
0x6e: {  	_ =	shalt  }
0x6f: {  	_ =	shalt  }
0x70: {  	_ =	shalt  }
0x71: {  	_ =	shalt  }
0x72: {  	_ =	shalt  }
0x73: {  	_ =	shalt  }
0x74: {  	_ =	shalt  }
0x75: {  	_ =	shalt  }
0x76: {  	_ =	shalt  }
0x77: {  	_ =	shalt  }
0x78: {  	_ =	shalt  }
0x79: {  	_ =	shalt  }
0x7a: {  	_ =	shalt  }
0x7b: {  	_ =	shalt  }
0x7c: {  	_ =	shalt  }
0x7d: {  	_ =	shalt  }
0x7e: {  	_ =	shalt  }
0x7f: {  	_ =	shalt  }
0x80: {  	_ =	shalt  }
0x81: {  	_ =	shalt  }
0x82: {  	_ =	shalt  }
0x83: {  	_ =	shalt  }
0x84: {  	_ =	shalt  }
0x85: {  	_ =	shalt  }
0x86: {  	_ =	shalt  }
0x87: {  	_ =	shalt  }
.Lfunc_end0:
.L_simem_size_0:
called_computation_lowered:
.L_overlay_start_0:
0x88: {  	s2 =	sld [smem:$0x3FD9]  }
0x89: {  	s3 =	sld [smem:$0x3FFE];
	_ =	sdelay $0x1  }
0x8a: {  	s1 =	srdreg.scid  }
0x8b: {  	s0 =	sand.u32 $0x1, s1  }
0x8c: {  	s17 =	sshll.u32 s0, $0xA;
	s2 =	sadd.s32 s3, s2  }
0x8d: {  	s2 =	sadd.s32 s2, s17  }
0x8e: {  	[smem:$0x3FC1] =	sst s2  }
0x8f: {  	_ = 	snop  }
0x90: {  	s2 =	sld [smem:$0x3FC9]  }
0x91: {  	s18 =	sld [smem:$0x3FD0];
	(tm) =	ssettm $0x1  }
0x92: {  	s4 =	sld [smem:$0x3FFB];
	_ =	sdelay $0x3  }
0x93: {  	_ =	strace s4  }
0x94: {  	s4 =	sld [smem:$0x3FFC];
	_ =	sdelay $0x3  }
0x95: {  	_ =	strace s4  }
0x96: {  	s4 =	sld [smem:$0x3FFD];
	_ =	sdelay $0x3  }
0x97: {  	_ =	strace s4  }
0x98: {  	_ =	strace $0x8FFFFFFF  }
0x99: {  	s19 =	sld [smem:$0x3FDB];
	_ =	sdelay $0x1  }
0x9a: {  	s5 =	simm.s32 $_scs_section_size  }
0x9b: {  	s6 =	simm.s32 $_size__tile_overlayer_lowered;
	s7 =	simm.s32 $_tile_overlayer_lowered  }
0x9c: {  	s22 =	simm.s32 $0x1BFF;
	s21 =	sshll.u32 s7, $0x1;
	s4 =	sadd.s32 s5, s19  }
0x9d: {  	s8 =	simm.s32 $0x0;
	s20 =	sshll.u32 s6, $0x1;
	s6 =	sadd.s32 s21, s4  }
0x9e: {  	[timem:s8], [sflag:s22] =	dma.local [hbm:s6], s20  }
0x9f: {  	_ =	swait.ge [sflag:s22], s20  }
0xa0: {  	s5 =	ssub.s32 $0x0, s20;
	[sflag:s22] =	ssyncset.done $0x0  }
0xa1: {  	[sflag:s22] =	ssyncadd.s32 s5;
	_ =	sdelay $0x1  }
0xa2: {  	s23 =	simm.s32 $0x1B8B  }
0xa3: {  	_ =	swait.ge [sflag:s23], $0x1  }
0xa4: {  	[sflag:s23] =	ssyncset.done $0x0  }
0xa5: {  	s25 =	simm.s32 $0x1B8E;
	s24 =	sld [smem:$0x3FFE];
	[sflag:s23] =	ssyncadd.s32 $0xFFFFFFFF  }
0xa6: {  	s26 =	simm.s32 $execute0_lowered;
	[smem:$0x3FD2] =	sst s25  }
0xa7: {  	s6 =	sshll.u32 s26, $0x1;
	_ =	strace $0x80000046;
	[dreg:$0x1] =	wrdreg $0xFFFFFFFF  }
0xa8: {  	s28 =	simm.s32 $_size_execute0_lowered;
	s4 =	sadd.s32 s4, s6;
	[dreg:$0x0] =	wrdreg $0x0  }
0xa9: {  	s6 =	sshll.u32 s28, $0x1;
	[dreg:$0x2] =	wrdreg s4  }
0xaa: {  	[dreg:$0x3] =	wrdreg s6  }
0xab: {  	[dreg:$0x4] =	wrdreg $0xC0  }
0xac: {  	_ =	task [dreg:s8], $0x5FFFF  }
0xad: {  	[dreg:$0x1] =	wrdreg $0xFFFFFFFF  }
0xae: {  	[dreg:$0x0] =	wrdreg $0x60  }
0xaf: {  	[dreg:$0x2] =	wrdreg s2  }
0xb0: {  	[dreg:$0x3] =	wrdreg s18  }
0xb1: {  	[dreg:$0x4] =	wrdreg s24  }
0xb2: {  	[dreg:$0x5] =	wrdreg $0xB4000  }
0xb3: {  	[dreg:$0x6] =	wrdreg $0x9  }
0xb4: {  	_ =	task.clear_ibuf [dreg:s8], $0x7FFFF;
	_ =	strace $0x90000046  }
0xb5: {  	s29 =	simm.s32 $0x9;
	_ =	strace $0x80000048  }
0xb6: {  	_ =	swait.ge [sflag:s29], $0x1  }
0xb7: {  	[sflag:s29] =	ssyncadd.s32 $0xFFFFFFFF  }
0xb8: {  	_ =	strace $0x90000048  }
0xb9: {  	_ =	sfence  }
0xba: {  	s30 =	sld [smem:$0x0];
	_ =	sdelay $0x2  }
0xbb: {  	s31 =	sshll.u32 s1, $0xD;
	s1 =	sshrl.u32 s1, $0x2  }
0xbc: {  	s3 =	sand.u32 $0x4000, s31;
	s1 =	sadd.s32 s1, s30  }
0xbd: {  	s0 =	sor.u32 s3, s0;
	s1 =	sshll.u32 s1, $0x11  }
0xbe: {  	s0 =	sor.u32 s1, s0  }
0xbf: {  	s0 =	sadd.s32 $0x8F2B, s0  }
0xc0: {  	[sflag:s0] =	ssyncadd.remote.s32 $0x1  }
0xc1: {  	_ =	sfence.sel $0xFFFF  }
0xc2: {  	[dreg:$0x0] =	wrdreg $0xFFFFFFFF;
	(pc) =	sbr.abs _section_cstart, $3  }
0xc3: {  	[dreg:$0x1] =	wrdreg $0xFFFFFFFF  }
0xc4: {  	_ =	task.clear_ibuf [dreg:s8], $0x2FFFF;
	_ =	strace $0x9FFFFFFF  }
0xc5: {  	(tm) =	ssettm $0x7FFFFFFF  }
tec
execute0_lowered:
.L_overlay_start_1:
0x0: {  	(tag) =	ssettag $0x1  }
0x1: {  	s1 =	rddreg [dreg:$0x0]  }
0x2: {  	s0 =	rddreg [dreg:$0x1];
	s11 =	stileid.u32  }
0x3: {  	s2 =	srdreg.scid;
	s31 =	smul.u32 $0x4F000, s11  }
0x4: {  	s2 =	sand.u32 $0x1, s2;
	s4 =	sshll.u32 s11, $0x1;
	s17 =	smul.u32 $0x13C00, s11  }
0x5: {  	s5 =	rddreg [dreg:$0x2];
	s18 =	smul.u32 $0x4E20, s11;
	s6 =	sor.u32 s2, s4  }
0x6: {  	s3 =	rddreg [dreg:$0x3];
	s28 =	simm.s32 $0x400;
	s6 =	smul.u32 $0x2710, s6  }
0x7: {  	s5 =	sadd.s32 $0x1800, s5;
	s24 =	smul.u32 $0x9C4, s11;
	p0 =	seq.s32 s11, $0xF  }
0x8: {  	s4 =	simm.s32 $0x0;
	s7 =	ssub.s32 $0x2, s2;
	s6 =	sshrl.u32 s6, $0x3  }
0x9: {  	s15 =	smul.u32 $0x138800, s2;
	[smem:$0x7FF] =	sst s4;
	s12 =	sadd.s32 s0, s6  }
0xa: {  	_ =	strace $0x80000047;
	s30 =	sadd.s32 $0x9C40, s12;
	[dreg:$0x5] =	wrdreg s12  }
0xb: {  	s19 =	smul.u32 $0x2710, s2;
	s13 =	sadd.s32 $0xA, s12;
	[dreg:$0x6] =	wrdreg s30  }
0xc: {  	s2 =	smul.u32 $0x4E2, s2;
	s14 =	sadd.s32 $0x9C4A, s12;
	[dreg:$0x7] =	wrdreg s13  }
0xd: {  	s8 =	sshrl.u32 s7, $0x1;
	s9 =	sadd.s32 $0x14, s12;
	[dreg:$0x8] =	wrdreg s14  }
0xe: {  	s25 =	sadd.s32 s24, s0;
	s16 =	sadd.s32 $0x9C54, s12;
	[dreg:$0x9] =	wrdreg s9  }
0xf: {  	s6 =	ssub.s32 s7, s8;
	s10 =	sadd.s32 $0x1E, s12;
	[dreg:$0xa] =	wrdreg s16  }
0x10: {  	s7 =	sshrl.u32 s31, $0x2;
	s12 =	sadd.s32 $0x9C5E, s12;
	[dreg:$0xb] =	wrdreg s10  }
0x11: {  	s8 =	sshrl.u32 s15, $0x3;
	[dreg:$0xc] =	wrdreg s12;
	s13 =	sadd.s32 s7, s3  }
0x12: {  	s9 =	sadd.s32 s17, s15;
	s7 =	sadd.s32 s19, s18;
	s20 =	sadd.s32 $0x1000, s13  }
0x13: {  	s19 =	sadd.s32 s2, s25;
	s21 =	sadd.s32 $0x2000, s13;
	[dreg:$0xd] =	wrdreg s20  }
0x14: {  	s22 =	sadd.s32 $0x3000, s13;
	s9 =	sshrl.u32 s9, $0x3;
	[dreg:$0xe] =	wrdreg s21  }
0x15: {  	s23 =	sadd.s32 $0x4E430, s7;
	s10 =	sadd.s32 $0x6000, s13;
	[dreg:$0xf] =	wrdreg s22  }
0x16: {  	s26 =	sadd.s32 $0x4E3E0, s7;
	s11 =	sadd.s32 $0x7000, s13;
	[dreg:$0x15] =	wrdreg s10  }
0x17: {  	s29 =	sadd.s32 $0x4E390, s7;
	s12 =	sadd.s32 $0x8000, s13;
	[dreg:$0x16] =	wrdreg s11  }
0x18: {  	s7 =	sadd.s32 $0x4E340, s7;
	s14 =	sadd.s32 $0x9000, s13;
	[dreg:$0x17] =	wrdreg s12  }
0x19: {  	s15 =	sadd.s32 $0xA000, s13;
	s16 =	sadd.s32 $0xB000, s13;
	[dreg:$0x18] =	wrdreg s14  }
0x1a: {  	s17 =	sadd.s32 $0xC000, s13;
	s24 =	sadd.s32 $0xE000, s13;
	[dreg:$0x19] =	wrdreg s15  }
0x1b: {  	s25 =	sadd.s32 $0xF000, s13;
	s9 =	sadd.s32 s5, s9;
	[dreg:$0x1a] =	wrdreg s16  }
0x1c: {  	s5 =	sadd.s32 s5, s8;
	s30 =	sshrl.u32 s26, $0x3;
	[dreg:$0x1b] =	wrdreg s17  }
0x1d: {  	s2 =	sshrl.u32 s29, $0x3;
	s31 =	sshrl.u32 s7, $0x3;
	[dreg:$0x1d] =	wrdreg s24  }
0x1e: {  	s8 =	smax.u32 s6, $0x1;
	[dreg:$0x1e] =	wrdreg s25;
	s26 =	sadd.s32 $0x10000, s13  }
0x1f: {  	s29 =	sadd.s32 $0x11000, s13;
	s15 =	simm.s32 $0x200;
	s12 =	simm.s32 $0x180  }
0x20: {  	s24 =	simm.s32 $0xA400;
	s6 =	simm.s32 $0xD;
	[dreg:$0x10] =	wrdreg s9  }
0x21: {  	s16 =	simm.s32 $0x8;
	s10 =	simm.s32 $0x0;
	[dreg:$0x13] =	wrdreg s8  }
0x22: {  	s9 =	sshrl.u32 s23, $0x3;
	s20 =	sadd.s32 s30, s0;
	[dreg:$0x1f] =	wrdreg s26  }
0x23: {  	s21 =	sadd.s32 s2, s0;
	s2 =	sadd.s32 $0x4000, s13;
	[smem:$0x7FB] =	sst s29  }
0x24: {  	s22 =	sadd.s32 s31, s0;
	s7 =	sadd.s32 $0x25080, s5;
	[dreg:$0x11] =	wrdreg s2  }
0x25: {  	s23 =	sadd.s32 $0xD000, s13;
	s30 =	sadd.s32 $0x12000, s13;
	[dreg:$0x12] =	wrdreg s7  }
0x26: {  	s31 =	sadd.s32 $0x13000, s13;
	s26 =	simm.s32 $0x50;
	[dreg:$0x1c] =	wrdreg s23  }
0x27: {  	s18 =	sadd.s32 s9, s0;
	s9 =	sadd.s32 $0x5000, s13;
	[smem:$0x7FC] =	sst s30  }
0x28: {  	[smem:$0x7FD] =	sst s31;
	s7 =	simm.s32 $0x80;
	s2 =	simm.s32 $0x11  }
0x29: {  	v0 =	vimm.f32 $0.0e+00;
	s0 =	simm.s32 $0x1;
	[dreg:$0x14] =	wrdreg s9;
	s9 =	simm.s32 $0x100  }
.LBB2_1:
0x2a: {  	s5 =	rddreg [dreg:$0x5]  }
0x2b: {  	s8 =	rddreg [dreg:$0x6]  }
0x2c: {  	[tilespmem:s4], [sflag:$0x9] =	stream.linear.gather [hbm4b:s5+s4], $0x50, $0x38;
	[tilespmem:$0x1F000] =	vst v63  }
0x2d: {  	s11 =	rddreg [dreg:$0x7]  }
0x2e: {  	[tilespmem:s15], [sflag:$0xD] =	stream.linear.gather [hbm4b:s8+s4], $0x50, $0x38;
	[tilespmem:$0x1F000] =	vst v63  }
0x2f: {  	s14 =	rddreg [dreg:$0x8]  }
0x30: {  	[tilespmem:s7], [sflag:$0xA] =	stream.linear.gather [hbm4b:s11+s4], $0x50, $0x38;
	[tilespmem:$0x1F000] =	vst v63  }
0x31: {  	s17 =	rddreg [dreg:$0x9];
	s8 =	simm.s32 $0x280  }
0x32: {  	[tilespmem:s8], [sflag:$0xE] =	stream.linear.gather [hbm4b:s14+s4], $0x50, $0x38;
	[tilespmem:$0x1F000] =	vst v63  }
0x33: {  	s23 =	rddreg [dreg:$0xa]  }
0x34: {  	[tilespmem:s9], [sflag:$0xB] =	stream.linear.gather [hbm4b:s17+s4], $0x50, $0x38;
	[tilespmem:$0x1F000] =	vst v63  }
0x35: {  	s25 =	simm.s32 $0x300;
	s29 =	rddreg [dreg:$0xb]  }
0x36: {  	[tilespmem:s25], [sflag:$0xF] =	stream.linear.gather [hbm4b:s23+s4], $0x50, $0x38;
	[tilespmem:$0x1F000] =	vst v63  }
0x37: {  	s30 =	rddreg [dreg:$0xc]  }
0x38: {  	[tilespmem:s12], [sflag:$0xC] =	stream.linear.gather [hbm4b:s29+s4], $0x50, $0x38;
	[tilespmem:$0x1F000] =	vst v63  }
0x39: {  	s31 =	simm.s32 $0x380;
	s5 =	simm.s32 $0x0;
	s11 =	simm.s32 $0x200  }
0x3a: {  	[tilespmem:s31], [sflag:$0x10] =	stream.linear.gather [hbm4b:s30+s4], $0x50, $0x38;
	[tilespmem:$0x1F000] =	vst v63  }
.LBB2_2:
0x3b: {  	p1 =	sne.s32 s11, $0x3E00;
	[tilespmem:s5+$0xA470] =	vst v0  }
0x3c: {  	[tilespmem:s5+$0xA400] =	vst v0  }
0x3d: {  	[tilespmem:s5+$0xA410] =	vst v0  }
.Ltmp0:
0x3e: {  	[tilespmem:s5+$0xA420] =	vst v0;
	(pc) =	sbr.rel @p1 .LBB2_2-.Ltmp0, $4  }
0x3f: {  	[tilespmem:s5+$0xA430] =	vst v0  }
0x40: {  	[tilespmem:s5+$0xA440] =	vst v0  }
0x41: {  	[tilespmem:s5+$0xA450] =	vst v0  }
0x42: {  	[tilespmem:s5+$0xA460] =	vst v0;
	s5 =	sshra.s32 s11, $0x2;
	s11 =	sadd.s32 $0x200, s11  }
0x43: {  	[tilespmem:s5+$0xA470] =	vst v0  }
0x44: {  	[tilespmem:s5+$0xA400] =	vst v0  }
0x45: {  	[tilespmem:s5+$0xA410] =	vst v0  }
0x46: {  	[tilespmem:s5+$0xA420] =	vst v0  }
0x47: {  	[tilespmem:s5+$0xA430] =	vst v0  }
0x48: {  	[tilespmem:s5+$0xA440] =	vst v0  }
0x49: {  	[tilespmem:s5+$0xA450] =	vst v0  }
0x4a: {  	[tilespmem:s5+$0xA460] =	vst v0;
	s11 =	rddreg [dreg:$0xd]  }
0x4b: {  	[spmem:s13] =	stream.linear.scatter [tilespmem:s24], [sflag:$0x11], $0x1000, $0x38;
	[tilespmem:$0x1F000] =	vst v63  }
0x4c: {  	s14 =	rddreg [dreg:$0xe]  }
0x4d: {  	[spmem:s11] =	stream.linear.scatter [tilespmem:s24], [sflag:$0x11], $0x1000, $0x38;
	[tilespmem:$0x1F000] =	vst v63  }
0x4e: {  	s17 =	rddreg [dreg:$0xf]  }
0x4f: {  	[spmem:s14] =	stream.linear.scatter [tilespmem:s24], [sflag:$0x11], $0x1000, $0x38;
	[tilespmem:$0x1F000] =	vst v63  }
0x50: {  	s23 =	rddreg [dreg:$0x11]  }
0x51: {  	[spmem:s17] =	stream.linear.scatter [tilespmem:s24], [sflag:$0x11], $0x1000, $0x38;
	[tilespmem:$0x1F000] =	vst v63  }
0x52: {  	s25 =	rddreg [dreg:$0x14]  }
0x53: {  	[spmem:s23] =	stream.linear.scatter [tilespmem:s24], [sflag:$0x11], $0x1000, $0x38;
	[tilespmem:$0x1F000] =	vst v63  }
0x54: {  	s29 =	rddreg [dreg:$0x15]  }
0x55: {  	[spmem:s25] =	stream.linear.scatter [tilespmem:s24], [sflag:$0x11], $0x1000, $0x38;
	[tilespmem:$0x1F000] =	vst v63  }
0x56: {  	s30 =	rddreg [dreg:$0x16]  }
0x57: {  	[spmem:s29] =	stream.linear.scatter [tilespmem:s24], [sflag:$0x11], $0x1000, $0x38;
	[tilespmem:$0x1F000] =	vst v63  }
0x58: {  	s31 =	rddreg [dreg:$0x17]  }
0x59: {  	[spmem:s30] =	stream.linear.scatter [tilespmem:s24], [sflag:$0x11], $0x1000, $0x38;
	[tilespmem:$0x1F000] =	vst v63  }
0x5a: {  	s8 =	rddreg [dreg:$0x18]  }
0x5b: {  	[spmem:s31] =	stream.linear.scatter [tilespmem:s24], [sflag:$0x11], $0x1000, $0x38;
	[tilespmem:$0x1F000] =	vst v63  }
0x5c: {  	s11 =	rddreg [dreg:$0x19]  }
0x5d: {  	[spmem:s8] =	stream.linear.scatter [tilespmem:s24], [sflag:$0x11], $0x1000, $0x38;
	[tilespmem:$0x1F000] =	vst v63  }
0x5e: {  	s14 =	rddreg [dreg:$0x1a]  }
0x5f: {  	[spmem:s11] =	stream.linear.scatter [tilespmem:s24], [sflag:$0x11], $0x1000, $0x38;
	[tilespmem:$0x1F000] =	vst v63  }
0x60: {  	s17 =	rddreg [dreg:$0x1b]  }
0x61: {  	[spmem:s14] =	stream.linear.scatter [tilespmem:s24], [sflag:$0x11], $0x1000, $0x38;
	[tilespmem:$0x1F000] =	vst v63  }
0x62: {  	s23 =	rddreg [dreg:$0x1c]  }
0x63: {  	[spmem:s17] =	stream.linear.scatter [tilespmem:s24], [sflag:$0x11], $0x1000, $0x38;
	[tilespmem:$0x1F000] =	vst v63  }
0x64: {  	s25 =	rddreg [dreg:$0x1d]  }
0x65: {  	[spmem:s23] =	stream.linear.scatter [tilespmem:s24], [sflag:$0x11], $0x1000, $0x38;
	[tilespmem:$0x1F000] =	vst v63  }
0x66: {  	s29 =	rddreg [dreg:$0x1e]  }
0x67: {  	[spmem:s25] =	stream.linear.scatter [tilespmem:s24], [sflag:$0x11], $0x1000, $0x38;
	[tilespmem:$0x1F000] =	vst v63  }
0x68: {  	s30 =	rddreg [dreg:$0x1f]  }
0x69: {  	[spmem:s29] =	stream.linear.scatter [tilespmem:s24], [sflag:$0x11], $0x1000, $0x38;
	[tilespmem:$0x1F000] =	vst v63  }
0x6a: {  	s31 =	sld [smem:$0x7FB]  }
0x6b: {  	[spmem:s30] =	stream.linear.scatter [tilespmem:s24], [sflag:$0x11], $0x1000, $0x38;
	[tilespmem:$0x1F000] =	vst v63  }
0x6c: {  	s8 =	sld [smem:$0x7FC]  }
0x6d: {  	[spmem:s31] =	stream.linear.scatter [tilespmem:s24], [sflag:$0x11], $0x1000, $0x38;
	[tilespmem:$0x1F000] =	vst v63  }
0x6e: {  	s11 =	sld [smem:$0x7FD]  }
0x6f: {  	[spmem:s8] =	stream.linear.scatter [tilespmem:s24], [sflag:$0x11], $0x1000, $0x38;
	[tilespmem:$0x1F000] =	vst v63  }
0x70: {  	s14 =	simm.s32 $0x9  }
0x71: {  	[spmem:s11] =	stream.linear.scatter [tilespmem:s24], [sflag:$0x11], $0xC00, $0x38;
	[tilespmem:$0x1F000] =	vst v63  }
0x72: {  	_ =	swait.ge [sflag:s14], $0x50  }
0x73: {  	[sflag:s14] =	ssyncset.done $0x0  }
0x74: {  	s17 =	simm.s32 $0xA;
	s11 =	simm.s32 $0x0;
	[sflag:s14] =	ssyncadd.s32 $0xFFFFFFB0  }
0x75: {  	[tilespmem:s28], [sflag:$0x1] =	stream.indirect.gather [hbm4b:s1+s26], $0x80, s11, s26, $0xb8;
	[tilespmem:$0x1F000] =	vst v63  }
0x76: {  	_ =	swait.ge [sflag:s17], $0x50  }
0x77: {  	[sflag:s17] =	ssyncset.done $0x0  }
0x78: {  	s23 =	simm.s32 $0x2C00;
	s25 =	simm.s32 $0xB;
	[sflag:s17] =	ssyncadd.s32 $0xFFFFFFB0  }
0x79: {  	[tilespmem:s23], [sflag:$0x2] =	stream.indirect.gather [hbm4b:s1+s26], $0x80, s7, s26, $0xb8;
	[tilespmem:$0x1F000] =	vst v63  }
0x7a: {  	_ =	swait.ge [sflag:s25], $0x50  }
0x7b: {  	[sflag:s25] =	ssyncset.done $0x0  }
0x7c: {  	s29 =	simm.s32 $0x5400;
	s30 =	simm.s32 $0xC;
	[sflag:s25] =	ssyncadd.s32 $0xFFFFFFB0  }
0x7d: {  	[tilespmem:s29], [sflag:$0x3] =	stream.indirect.gather [hbm4b:s1+s26], $0x80, s9, s26, $0xb8;
	[tilespmem:$0x1F000] =	vst v63  }
0x7e: {  	_ =	swait.ge [sflag:s30], $0x50  }
0x7f: {  	[sflag:s30] =	ssyncset.done $0x0  }
0x80: {  	s31 =	simm.s32 $0x7C00;
	[sflag:s30] =	ssyncadd.s32 $0xFFFFFFB0  }
0x81: {  	[tilespmem:s31], [sflag:$0x4] =	stream.indirect.gather [hbm4b:s1+s26], $0x80, s12, s26, $0xb8;
	[tilespmem:$0x1F000] =	vst v63  }
0x82: {  	_ =	swait.ge [sflag:s2], $0x1000  }
0x83: {  	[sflag:s2] =	ssyncset.done $0x0  }
0x84: {  	[sflag:s2] =	ssyncadd.s32 $0xFFFFF000  }
0x85: {  	_ =	swait.ge [sflag:s2], $0x1000  }
0x86: {  	[sflag:s2] =	ssyncset.done $0x0  }
0x87: {  	[sflag:s2] =	ssyncadd.s32 $0xFFFFF000  }
0x88: {  	_ =	swait.ge [sflag:s2], $0x1000  }
0x89: {  	[sflag:s2] =	ssyncset.done $0x0  }
0x8a: {  	[sflag:s2] =	ssyncadd.s32 $0xFFFFF000  }
0x8b: {  	_ =	swait.ge [sflag:s2], $0x1000  }
0x8c: {  	[sflag:s2] =	ssyncset.done $0x0  }
0x8d: {  	[sflag:s2] =	ssyncadd.s32 $0xFFFFF000  }
0x8e: {  	_ =	swait.ge [sflag:s2], $0x1000  }
0x8f: {  	[sflag:s2] =	ssyncset.done $0x0  }
0x90: {  	[sflag:s2] =	ssyncadd.s32 $0xFFFFF000  }
0x91: {  	_ =	swait.ge [sflag:s2], $0x1000  }
0x92: {  	[sflag:s2] =	ssyncset.done $0x0  }
0x93: {  	[sflag:s2] =	ssyncadd.s32 $0xFFFFF000  }
0x94: {  	_ =	swait.ge [sflag:s2], $0x1000  }
0x95: {  	[sflag:s2] =	ssyncset.done $0x0  }
0x96: {  	[sflag:s2] =	ssyncadd.s32 $0xFFFFF000  }
0x97: {  	_ =	swait.ge [sflag:s2], $0x1000  }
0x98: {  	[sflag:s2] =	ssyncset.done $0x0  }
0x99: {  	[sflag:s2] =	ssyncadd.s32 $0xFFFFF000  }
0x9a: {  	_ =	swait.ge [sflag:s2], $0x1000  }
0x9b: {  	[sflag:s2] =	ssyncset.done $0x0  }
0x9c: {  	[sflag:s2] =	ssyncadd.s32 $0xFFFFF000  }
0x9d: {  	_ =	swait.ge [sflag:s2], $0x1000  }
0x9e: {  	[sflag:s2] =	ssyncset.done $0x0  }
0x9f: {  	[sflag:s2] =	ssyncadd.s32 $0xFFFFF000  }
0xa0: {  	_ =	swait.ge [sflag:s2], $0x1000  }
0xa1: {  	[sflag:s2] =	ssyncset.done $0x0  }
0xa2: {  	[sflag:s2] =	ssyncadd.s32 $0xFFFFF000  }
0xa3: {  	_ =	swait.ge [sflag:s2], $0x1000  }
0xa4: {  	[sflag:s2] =	ssyncset.done $0x0  }
0xa5: {  	[sflag:s2] =	ssyncadd.s32 $0xFFFFF000  }
0xa6: {  	_ =	swait.ge [sflag:s2], $0x1000  }
0xa7: {  	[sflag:s2] =	ssyncset.done $0x0  }
0xa8: {  	[sflag:s2] =	ssyncadd.s32 $0xFFFFF000  }
0xa9: {  	_ =	swait.ge [sflag:s2], $0x1000  }
0xaa: {  	[sflag:s2] =	ssyncset.done $0x0  }
0xab: {  	[sflag:s2] =	ssyncadd.s32 $0xFFFFF000  }
0xac: {  	_ =	swait.ge [sflag:s2], $0x1000  }
0xad: {  	[sflag:s2] =	ssyncset.done $0x0  }
0xae: {  	[sflag:s2] =	ssyncadd.s32 $0xFFFFF000  }
0xaf: {  	_ =	swait.ge [sflag:s2], $0x1000  }
0xb0: {  	[sflag:s2] =	ssyncset.done $0x0  }
0xb1: {  	[sflag:s2] =	ssyncadd.s32 $0xFFFFF000  }
0xb2: {  	_ =	swait.ge [sflag:s2], $0x1000  }
0xb3: {  	[sflag:s2] =	ssyncset.done $0x0  }
0xb4: {  	[sflag:s2] =	ssyncadd.s32 $0xFFFFF000  }
0xb5: {  	_ =	swait.ge [sflag:s2], $0x1000  }
0xb6: {  	[sflag:s2] =	ssyncset.done $0x0  }
0xb7: {  	[sflag:s2] =	ssyncadd.s32 $0xFFFFF000  }
0xb8: {  	_ =	swait.ge [sflag:s2], $0x1000  }
0xb9: {  	[sflag:s2] =	ssyncset.done $0x0  }
0xba: {  	[sflag:s2] =	ssyncadd.s32 $0xFFFFF000  }
0xbb: {  	_ =	swait.ge [sflag:s2], $0xC00  }
0xbc: {  	[sflag:s2] =	ssyncset.done $0x0  }
0xbd: {  	[sflag:s2] =	ssyncadd.s32 $0xFFFFF400  }
0xbe: {  	s17 =	simm.s32 $0x0;
	[bflag:$0x0] =	sbarrier.arrive $0xFFFF  }
.LBB2_4:
0xbf: {  	_ =	swait.ge [sflag:s0], $0x2800  }
0xc0: {  	[sflag:s0] =	ssyncset.done $0x0  }
0xc1: {  	[sflag:s0] =	ssyncadd.s32 $0xFFFFD800  }
0xc2: {  	_ =	swait.ge [sflag:s6], $0x50  }
0xc3: {  	p1 =	seq.s32 s11, $0x4D8;
	[sflag:s6] =	ssyncset.done $0x0  }
0xc4: {  	s5 =	sadd.s32 @!p1 s11, s19;
	[sflag:s6] =	ssyncadd.s32 $0xFFFFFFB0  }
0xc5: {  	[spmem:s3] =	stream.indirect.scatter.add.f32 [tilespmem:s28], [sflag:$0x5], $0x80, s15, s26, $0xb8;
	[tilespmem:$0x1F000] =	vst v63  }
0xc6: {  	s12 =	simm.s32 @!p1 $0x0;
	s5 =	sadd.s32 @!p1 $0x28, s5  }
0xc7: {  	[tilespmem:s12], [sflag:$0x9] =	stream.linear.gather @!p1 [hbm4b:s5+s12], $0x50, $0x38;
	[tilespmem:$0x1F000] =	vst v63  }
0xc8: {  	s5 =	simm.s32 @!p1 $0x2  }
0xc9: {  	_ =	swait.ge @!p1 [sflag:s5], $0x2800  }
0xca: {  	[sflag:s5] =	ssyncset.done @!p1 $0x0  }
0xcb: {  	[sflag:s5] =	ssyncadd.s32 @!p1 $0xFFFFD800;
	s5 =	simm.s32 @!p1 $0xE  }
0xcc: {  	s14 =	simm.s32 @!p1 $0x280;
	_ =	swait.ge @!p1 [sflag:s5], $0x50  }
0xcd: {  	s23 =	simm.s32 @!p1 $0x2C00;
	p2 =	sgt.u32 @!p1 s17, $0x1D;
	[sflag:s5] =	ssyncset.done @!p1 $0x0  }
0xce: {  	p3 =	por !p2, p1;
	[sflag:s5] =	ssyncadd.s32 @!p1 $0xFFFFFFB0;
	s5 =	simm.s32 @!p1 $0x50  }
0xcf: {  	[spmem:s3] =	stream.indirect.scatter.add.f32 @!p1 [tilespmem:s23], [sflag:$0x6], $0x80, s14, s5, $0xb8;
	[tilespmem:$0x1F000] =	vst v63  }
0xd0: {  	s14 =	simm.s32 @!p3 $0x3  }
0xd1: {  	_ =	swait.ge @!p3 [sflag:s14], $0x2800  }
0xd2: {  	[sflag:s14] =	ssyncset.done @!p3 $0x0  }
0xd3: {  	[sflag:s14] =	ssyncadd.s32 @!p3 $0xFFFFD800;
	s14 =	simm.s32 @!p3 $0xF  }
0xd4: {  	_ =	swait.ge @!p3 [sflag:s14], $0x50  }
0xd5: {  	p2 =	por p2, p1;
	s25 =	simm.s32 @!p3 $0x5400;
	[sflag:s14] =	ssyncset.done @!p3 $0x0  }
0xd6: {  	s23 =	simm.s32 @!p3 $0x300;
	[sflag:s14] =	ssyncadd.s32 @!p3 $0xFFFFFFB0;
	s14 =	simm.s32 @!p3 $0x50  }
0xd7: {  	[spmem:s3] =	stream.indirect.scatter.add.f32 @!p3 [tilespmem:s25], [sflag:$0x7], $0x80, s23, s14, $0xb8;
	[tilespmem:$0x1F000] =	vst v63  }
0xd8: {  	s25 =	sadd.s32 @!p2 s11, s19  }
0xd9: {  	s29 =	simm.s32 @!p2 $0x80;
	s14 =	simm.s32 @!p2 $0x0;
	s23 =	sadd.s32 @!p2 $0x32, s25  }
0xda: {  	[tilespmem:s29], [sflag:$0xA] =	stream.linear.gather @!p2 [hbm4b:s23+s14], $0x50, $0x38;
	[tilespmem:$0x1F000] =	vst v63  }
0xdb: {  	s23 =	simm.s32 @!p2 $0x3  }
0xdc: {  	_ =	swait.ge @!p2 [sflag:s23], $0x2800  }
0xdd: {  	[sflag:s23] =	ssyncset.done @!p2 $0x0  }
0xde: {  	[sflag:s23] =	ssyncadd.s32 @!p2 $0xFFFFD800;
	s23 =	simm.s32 @!p2 $0xF  }
0xdf: {  	_ =	swait.ge @!p2 [sflag:s23], $0x50  }
0xe0: {  	s30 =	simm.s32 @!p2 $0x300;
	[sflag:s23] =	ssyncset.done @!p2 $0x0  }
0xe1: {  	s31 =	simm.s32 @!p2 $0x5400;
	[sflag:s23] =	ssyncadd.s32 @!p2 $0xFFFFFFB0;
	s23 =	simm.s32 @!p2 $0x50  }
0xe2: {  	[spmem:s3] =	stream.indirect.scatter.add.f32 @!p2 [tilespmem:s31], [sflag:$0x7], $0x80, s30, s23, $0xb8;
	[tilespmem:$0x1F000] =	vst v63  }
0xe3: {  	s8 =	simm.s32 @!p2 $0x100;
	s7 =	sadd.s32 @!p2 $0x3C, s25  }
0xe4: {  	[tilespmem:s8], [sflag:$0xB] =	stream.linear.gather @!p2 [hbm4b:s7+s14], $0x50, $0x38;
	[tilespmem:$0x1F000] =	vst v63  }
0xe5: {  	s7 =	simm.s32 @!p1 $0x4  }
0xe6: {  	_ =	swait.ge @!p1 [sflag:s7], $0x2800  }
0xe7: {  	[sflag:s7] =	ssyncset.done @!p1 $0x0  }
0xe8: {  	[sflag:s7] =	ssyncadd.s32 @!p1 $0xFFFFD800;
	s7 =	simm.s32 @!p1 $0x10  }
0xe9: {  	_ =	swait.ge @!p1 [sflag:s7], $0x50  }
0xea: {  	[sflag:s7] =	ssyncset.done @!p1 $0x0  }
0xeb: {  	s9 =	simm.s32 @!p1 $0x7C00;
	[sflag:s7] =	ssyncadd.s32 @!p1 $0xFFFFFFB0;
	s7 =	simm.s32 @!p1 $0x380  }
0xec: {  	[spmem:s3] =	stream.indirect.scatter.add.f32 @!p1 [tilespmem:s9], [sflag:$0x8], $0x80, s7, s5, $0xb8;
	[tilespmem:$0x1F000] =	vst v63  }
0xed: {  	s7 =	sadd.s32 @!p2 $0x46, s25;
	s9 =	simm.s32 @!p2 $0x180  }
0xee: {  	[tilespmem:s9], [sflag:$0xC] =	stream.linear.gather @!p2 [hbm4b:s7+s14], $0x50, $0x38;
	[tilespmem:$0x1F000] =	vst v63  }
0xef: {  	s7 =	simm.s32 @!p1 $0x5  }
0xf0: {  	_ =	swait.ge @!p1 [sflag:s7], $0x2800  }
0xf1: {  	[sflag:s7] =	ssyncset.done @!p1 $0x0  }
0xf2: {  	s25 =	simm.s32 @!p1 $0x200;
	[sflag:s7] =	ssyncadd.s32 @!p1 $0xFFFFD800;
	s7 =	sadd.s32 @!p1 s11, s22  }
0xf3: {  	[tilespmem:s25], [sflag:$0xD] =	stream.linear.gather @!p1 [hbm4b:s7+s12], $0x50, $0x38;
	[tilespmem:$0x1F000] =	vst v63  }
0xf4: {  	s7 =	simm.s32 @!p1 $0x9  }
0xf5: {  	_ =	swait.ge @!p1 [sflag:s7], $0x50  }
0xf6: {  	[sflag:s7] =	ssyncset.done @!p1 $0x0  }
0xf7: {  	[sflag:s7] =	ssyncadd.s32 @!p1 $0xFFFFFFB0;
	s7 =	simm.s32 @!p1 $0x400  }
0xf8: {  	[tilespmem:s7], [sflag:$0x1] =	stream.indirect.gather @!p1 [hbm4b:s1+s5], $0x80, s12, s5, $0xb8;
	[tilespmem:$0x1F000] =	vst v63  }
0xf9: {  	s5 =	simm.s32 @!p2 $0x6  }
0xfa: {  	_ =	swait.ge @!p2 [sflag:s5], $0x2800  }
0xfb: {  	[sflag:s5] =	ssyncset.done @!p2 $0x0  }
0xfc: {  	s7 =	simm.s32 @!p2 $0x280;
	[sflag:s5] =	ssyncadd.s32 @!p2 $0xFFFFD800;
	s5 =	sadd.s32 @!p2 s11, s21  }
0xfd: {  	[tilespmem:s7], [sflag:$0xE] =	stream.linear.gather @!p2 [hbm4b:s5+s14], $0x50, $0x38;
	[tilespmem:$0x1F000] =	vst v63  }
0xfe: {  	s5 =	simm.s32 @!p2 $0xA  }
0xff: {  	_ =	swait.ge @!p2 [sflag:s5], $0x50  }
0x100: {  	[sflag:s5] =	ssyncset.done @!p2 $0x0  }
0x101: {  	[sflag:s5] =	ssyncadd.s32 @!p2 $0xFFFFFFB0;
	s5 =	simm.s32 @!p2 $0x2C00  }
0x102: {  	[tilespmem:s5], [sflag:$0x2] =	stream.indirect.gather @!p2 [hbm4b:s1+s23], $0x80, s29, s23, $0xb8;
	[tilespmem:$0x1F000] =	vst v63  }
0x103: {  	s5 =	simm.s32 @!p2 $0x7  }
0x104: {  	_ =	swait.ge @!p2 [sflag:s5], $0x2800  }
0x105: {  	[sflag:s5] =	ssyncset.done @!p2 $0x0  }
0x106: {  	[sflag:s5] =	ssyncadd.s32 @!p2 $0xFFFFD800;
	s5 =	sadd.s32 @!p2 s11, s20  }
0x107: {  	[tilespmem:s30], [sflag:$0xF] =	stream.linear.gather @!p2 [hbm4b:s5+s14], $0x50, $0x38;
	[tilespmem:$0x1F000] =	vst v63  }
0x108: {  	s5 =	simm.s32 @!p2 $0xB  }
0x109: {  	_ =	swait.ge @!p2 [sflag:s5], $0x50  }
0x10a: {  	[sflag:s5] =	ssyncset.done @!p2 $0x0  }
0x10b: {  	[sflag:s5] =	ssyncadd.s32 @!p2 $0xFFFFFFB0;
	s5 =	simm.s32 @!p2 $0x8  }
0x10c: {  	[tilespmem:s31], [sflag:$0x3] =	stream.indirect.gather @!p2 [hbm4b:s1+s23], $0x80, s8, s23, $0xb8;
	[tilespmem:$0x1F000] =	vst v63  }
0x10d: {  	_ =	swait.ge @!p2 [sflag:s5], $0x2800  }
0x10e: {  	[sflag:s5] =	ssyncset.done @!p2 $0x0  }
0x10f: {  	s7 =	simm.s32 @!p2 $0x380;
	[sflag:s5] =	ssyncadd.s32 @!p2 $0xFFFFD800;
	s5 =	sadd.s32 @!p2 s11, s18  }
0x110: {  	[tilespmem:s7], [sflag:$0x10] =	stream.linear.gather @!p2 [hbm4b:s5+s14], $0x50, $0x38;
	[tilespmem:$0x1F000] =	vst v63  }
0x111: {  	s5 =	simm.s32 @!p2 $0xC  }
0x112: {  	_ =	swait.ge @!p2 [sflag:s5], $0x50  }
0x113: {  	[sflag:s5] =	ssyncset.done @!p2 $0x0  }
0x114: {  	s11 =	sadd.s32 @!p1 $0x28, s11;
	[sflag:s5] =	ssyncadd.s32 @!p2 $0xFFFFFFB0;
	s5 =	simm.s32 @!p2 $0x7C00  }
0x115: {  	[tilespmem:s5], [sflag:$0x4] =	stream.indirect.gather @!p2 [hbm4b:s1+s23], $0x80, s9, s23, $0xb8;
	[tilespmem:$0x1F000] =	vst v63  }
0x116: {  	p2 =	sne.s32 @!p1 s11, $0x500  }
0x117: {  	p2 =	por p1, !p2  }
.Ltmp1:
0x118: {  	_ = 	snop;
	(pc) =	sbr.rel @!p2 .LBB2_4-.Ltmp1, $2  }
0x119: {  	_ =	sdelay $0x2  }
0x11a: {  	s17 =	sadd.s32 @!p1 $0x1, s17  }
0x11b: {  	s5 =	simm.s32 $0x5  }
0x11c: {  	_ =	swait.ge [sflag:s5], $0x2800  }
0x11d: {  	[sflag:s5] =	ssyncset.done $0x0  }
0x11e: {  	s29 =	simm.s32 $0x6;
	[sflag:s5] =	ssyncadd.s32 $0xFFFFD800  }
0x11f: {  	_ =	swait.ge [sflag:s29], $0x2800  }
0x120: {  	[sflag:s29] =	ssyncset.done $0x0  }
0x121: {  	s30 =	simm.s32 $0x7;
	[sflag:s29] =	ssyncadd.s32 $0xFFFFD800  }
0x122: {  	_ =	swait.ge [sflag:s30], $0x2800  }
0x123: {  	[sflag:s30] =	ssyncset.done $0x0  }
0x124: {  	[sflag:s30] =	ssyncadd.s32 $0xFFFFD800  }
0x125: {  	_ =	swait.ge [sflag:s16], $0x2800  }
0x126: {  	[sflag:s16] =	ssyncset.done $0x0  }
0x127: {  	[sflag:s16] =	ssyncadd.s32 $0xFFFFD800  }
0x128: {  	[bflag:$0x0] =	sbarrier.arrive $0xFFFF  }
0x129: {  	s7 =	simm.s32 @p0 $0x1FD2;
	s5 =	sshrl.u32 @p0 s13, $0x3;
	s8 =	rddreg [dreg:$0x12]  }
0x12a: {  	[hbm:s8], [sflag:s7] =	dma.local @p0 [spmem:s5], $0x2080  }
0x12b: {  	s5 =	simm.s32 @p0 $0x12  }
0x12c: {  	s7 =	stileid.u32;
	_ =	swait.ge @p0 [sflag:s5], $0x2080  }
0x12d: {  	s7 =	sshll.u32 @!p0 s7, $0x6;
	[sflag:s5] =	ssyncset.done @p0 $0x0;
	s8 =	rddreg [dreg:$0x10]  }
0x12e: {  	[sflag:s5] =	ssyncadd.s32 @p0 $0xFFFFDF80;
	s5 =	sor.u32 @!p0 $0x1C12, s7;
	s7 =	sshrl.u32 @!p0 s13, $0x3  }
0x12f: {  	[hbm:s8], [sflag:s5] =	dma.local @!p0 [spmem:s7], $0x2780  }
0x130: {  	s5 =	simm.s32 @!p0 $0x12  }
0x131: {  	_ =	swait.ge @!p0 [sflag:s5], $0x2780  }
0x132: {  	s10 =	sadd.s32 $0x1, s10;
	s31 =	rddreg [dreg:$0x13]  }
0x133: {  	p1 =	sne.s32 s10, s31  }
.Ltmp2:
0x134: {  	_ = 	snop;
	(pc) =	sbr.rel @p1 .LBB2_1-.Ltmp2, $3  }
0x135: {  	_ =	sdelay $0x1  }
0x136: {  	s9 =	simm.s32 $0x100;
	[sflag:s5] =	ssyncset.done @!p0 $0x0  }
0x137: {  	s12 =	simm.s32 $0x180;
	s7 =	simm.s32 $0x80;
	[sflag:s5] =	ssyncadd.s32 @!p0 $0xFFFFD880  }
0x138: {  	_ =	sfence.sel $0x180000  }
0x139: {  	[bflag:$0x0] =	sbarrier.arrive $0xFFFF  }
0x13a: {  	_ =	strace $0x90000047  }
0x13b: {  	s0 =	stileid.u32;
	[bflag:$0x2] =	sbarrier.arrive $0xFFFF  }
0x13c: {  	p0 =	sne.s32 s0, $0x0;
	s0 =	rddreg [dreg:$0x4]  }
0x13d: {  	s0 =	sadd.s32 @!p0 $0x100000, s0  }
0x13e: {  	[sflag:s0] =	ssyncadd.tile.s32 @!p0 $0x1;
	_ =	shalt  }
.Lfunc_end2:
_tile_overlayer_lowered:
.L_overlay_start_2:
0x13f: {  	(tag) =	ssettag $0x2  }
0x140: {  	s0 =	rddreg [dreg:$0x0];
	s2 =	stileid.u32  }
0x141: {  	s1 =	rddreg [dreg:$0x1];
	p0 =	sne.s32 s2, $0x0  }
0x142: {  	s3 =	rddreg [dreg:$0x2];
	[bflag:$0x3] =	sbarrier.arrive $0xFFFF;
	s2 =	simm.s32 @!p0 $0x1C12  }
0x143: {  	[timem:s3], [sflag:s2] =	dma.local @!p0 [hbm:s0], s1  }
0x144: {  	s0 =	simm.s32 @!p0 $0x12  }
0x145: {  	_ =	swait.ge @!p0 [sflag:s0], s1  }
0x146: {  	s1 =	ssub.s32 @!p0 $0x0, s1;
	[sflag:s0] =	ssyncset.done @!p0 $0x0  }
0x147: {  	[sflag:s0] =	ssyncadd.s32 @!p0 s1  }
0x148: {  	[bflag:$0x3] =	sbarrier.arrive $0xFFFF  }
0x149: {  	_ =	shalt  }

</sc_bundles>
